<compile_context>
chip_gen: v7x
topology: tpu7x:2x2x1
jax: 0.10.2.dev20260603
libtpu: 0.0.44.dev20260713+nightly
codegen_flags: <defaults>
</compile_context>

<pallas_src>
import functools

import jax
import jax.numpy as jnp
from jax import lax
from jax.experimental import pallas as pl
from jax.experimental.pallas import tpu as pltpu
from jax.experimental.pallas import tpu_sc as plsc

NUM_CODES = 1024
CODE_DIM = 64
BETA = 0.25

_NC = 2
_NS = 16
_L = 16


def _dist_argmin_kernel(x_ref, cb_ref, idx_ref, loss_ref, *, nb, n_elems):
    b = pl.program_id(0)
    cb = cb_ref[...]
    bd = x_ref.shape[0]

    part = jnp.zeros((1, 1), jnp.float32)
    for i in range(bd):
        xm = x_ref[i]
        part = part + _one_image(xm, cb, idx_ref.at[i])

    total = jnp.where(b == 0, part, loss_ref[...] + part)
    scale = (1.0 + BETA) / n_elems
    loss_ref[...] = jnp.where(b == nb - 1, total * scale, total)


def _one_image(xm, cb, idx_ref):

    zc2 = lax.dot_general(
        cb + cb, xm, (((1,), (0,)), ((), ())),
        preferred_element_type=jnp.float32,
        precision=lax.Precision.DEFAULT,
    )
    c2 = jnp.sum(cb * cb, axis=1, keepdims=True)
    z2 = jnp.sum(xm * xm, axis=0, keepdims=True)
    dist = z2 + c2 - zc2

    minv = jnp.min(dist, axis=0, keepdims=True)
    iota_f = lax.broadcasted_iota(jnp.int32, dist.shape, 0).astype(jnp.float32)
    fidx = jnp.min(jnp.where(dist == minv, iota_f, 2.0 * NUM_CODES), axis=0)
    idx_ref[0, :] = fidx.astype(jnp.int32)

    return jnp.sum(minv).reshape(1, 1)


def _sc_gather_body(cbt_hbm, idx_hbm, out_hbm, cbt_v, idx_v, slab_v):
    b = lax.axis_index("s") * _NC + lax.axis_index("c")
    pltpu.sync_copy(cbt_hbm, cbt_v)
    pltpu.sync_copy(idx_hbm.at[b], idx_v)

    P = idx_v.shape[0]
    ngroups = P // _L
    half = slab_v.shape[0] // P

    for h in range(CODE_DIM // half):
        def g_body(g, carry, h=h):
            vidx = idx_v[pl.ds(g * _L, _L)]
            for dd in range(half):
                flat = vidx + (h * half + dd) * NUM_CODES
                row = plsc.load_gather(cbt_v, [flat])
                slab_v[pl.ds(dd * P + g * _L, _L)] = row
            return carry

        lax.fori_loop(0, ngroups, g_body, 0)
        pltpu.sync_copy(slab_v, out_hbm.at[b, h])


def _sc_gather(cbt_flat, idx2):
    B, P = idx2.shape
    nhalf = 2
    slab_elems = (CODE_DIM // nhalf) * P
    return pl.kernel(
        _sc_gather_body,
        out_type=jax.ShapeDtypeStruct((B, nhalf, slab_elems), jnp.float32),
        mesh=plsc.VectorSubcoreMesh(core_axis_name="c", subcore_axis_name="s"),
        compiler_params=pltpu.CompilerParams(needs_layout_passes=False),
        scratch_types=[
            pltpu.VMEM((CODE_DIM * NUM_CODES,), jnp.float32),
            pltpu.VMEM((P,), jnp.int32),
            pltpu.VMEM((slab_elems,), jnp.float32),
        ],
    )(cbt_flat, idx2)


def kernel(x, codebook):
    B, D, H, W = x.shape
    P = H * W
    x3 = x.reshape(B, D, P)

    bd = 4
    idx2, loss = pl.pallas_call(
        functools.partial(_dist_argmin_kernel, nb=B // bd, n_elems=x.size),
        grid=(B // bd,),
        in_specs=[
            pl.BlockSpec((bd, D, P), lambda b: (b, 0, 0)),
            pl.BlockSpec((NUM_CODES, CODE_DIM), lambda b: (0, 0)),
        ],
        out_specs=[
            pl.BlockSpec((bd, 1, P), lambda b: (b, 0, 0)),
            pl.BlockSpec((1, 1), lambda b: (0, 0)),
        ],
        out_shape=[
            jax.ShapeDtypeStruct((B, 1, P), jnp.int32),
            jax.ShapeDtypeStruct((1, 1), jnp.float32),
        ],
    )(x3, codebook)
    idx2 = idx2.reshape(B, P)

    zq3 = _sc_gather(codebook.T.reshape(-1), idx2)

    z_q = zq3.reshape(B, D, H, W)
    encoding_indices = idx2.reshape(B * P)
    vq_loss = loss[0, 0]
    return (z_q, vq_loss, encoding_indices)

# --- scband reference (transcript-rebuilt; emitter-appended) ---
"""Pipeline reference for scband-vector-quantizer-87582973100707 (READ-ONLY COPY).

The authoritative reference and input builder live on the scoring server;
editing this copy changes nothing except your own understanding.
"""

import jax, jax.numpy as jnp
import numpy as np

NUM_CODES = 1024
CODE_DIM = 64
BETA = 0.25


def setup_inputs(seed: int = 0) -> dict:
    key = jax.random.key(seed)
    k1, k2 = jax.random.split(key)
    x = jax.random.normal(k1, (32, 64, 32, 32), dtype=jnp.float32)
    codebook = jax.random.normal(k2, (NUM_CODES, CODE_DIM), dtype=jnp.float32)
    return {"x": x, "codebook": codebook}


def reference(x, codebook):
    B, D, H, W = x.shape
    z_e = x
    # quantize
    z = jnp.transpose(x, (0, 2, 3, 1)).reshape(-1, CODE_DIM)
    z2 = jnp.sum(z ** 2, axis=1, keepdims=True)
    c2 = jnp.sum(codebook ** 2, axis=1)[None, :]
    zc = z @ codebook.T
    distance_matrix = z2 + c2 - 2.0 * zc
    encoding_indices = jnp.argmin(distance_matrix, axis=1)
    z_q = jnp.take(codebook, encoding_indices, axis=0)
    z_q = jnp.transpose(z_q.reshape(B, H, W, D), (0, 3, 1, 2))
    # losses
    loss_codebook = jnp.mean((z_q - jax.lax.stop_gradient(z_e)) ** 2)
    loss_commitment = BETA * jnp.mean((z_e - jax.lax.stop_gradient(z_q)) ** 2)
    vq_loss = loss_codebook + loss_commitment
    # straight-through estimator
    z_q_st = z_e + jax.lax.stop_gradient(z_q - z_e)
    return (z_q_st, vq_loss, encoding_indices)

if __name__ == "__main__":
    import jax
    _d = setup_inputs()
    print(jax.jit(kernel)(*tuple(_d.values())))

</pallas_src>

<mosaic_0001>
#map = affine_map<(d0, d1) -> (0)>
#map1 = affine_map<(d0, d1) -> (0, 0)>
#map2 = affine_map<(d0, d1) -> (0, 0, 0)>
module attributes {stable_mosaic.version = 14 : i64} {
  func.func @_sc_gather_body(%arg0: i32, %arg1: i32, %arg2: memref<65536xf32, #tpu.memory_space<hbm>>, %arg3: memref<32x1024xi32, #tpu.memory_space<hbm>>, %arg4: memref<32x2x32768xf32, #tpu.memory_space<hbm>>, %arg5: memref<65536xf32, #tpu.memory_space<vmem>>, %arg6: memref<1024xi32, #tpu.memory_space<vmem>>, %arg7: memref<32768xf32, #tpu.memory_space<vmem>>) attributes {dimension_semantics = [#tpu.dimension_semantics<core_parallel>, #tpu.dimension_semantics<subcore_parallel>], iteration_bounds = array<i64: 2, 16>, scalar_prefetch = 0 : i64, scratch_operands = 3 : i64, tpu.core_type = #tpu.core_type<sc_vector_subcore>, window_params = [{transform_indices = #map}, {transform_indices = #map1}, {transform_indices = #map2}]} {
    %mul3A = arith.constant 2 : i32
    %mul3A_0 = arith.muli %arg1, %mul3A : i32
    %add3A = arith.addi %mul3A_0, %arg0 : i32
    "tpu.region"() ({
      %run_scoped3A_13 = tpu.sem_alloc : memref<!tpu.dma_semaphore, #tpu.memory_space<semaphore_mem>>
      tpu.enqueue_dma source(%arg2 : memref<65536xf32, #tpu.memory_space<hbm>>) target(%arg5 : memref<65536xf32, #tpu.memory_space<vmem>>) target_semaphore(%run_scoped3A_13 : memref<!tpu.dma_semaphore, #tpu.memory_space<semaphore_mem>>)
      tpu.wait_dma2 semaphore(%run_scoped3A_13 : memref<!tpu.dma_semaphore, #tpu.memory_space<semaphore_mem>>) src(%arg2 : memref<65536xf32, #tpu.memory_space<hbm>>) dst(%arg5 : memref<65536xf32, #tpu.memory_space<vmem>>)
      tpu.yield
    }) : () -> ()
    "tpu.region"() ({
      %run_scoped3A_13 = tpu.sem_alloc : memref<!tpu.dma_semaphore, #tpu.memory_space<semaphore_mem>>
      %dma_start3A = arith.constant 0 : i32
      %dma_start3A_14 = tpu.memref_slice %arg3[%add3A, %dma_start3A] : memref<32x1024xi32, #tpu.memory_space<hbm>> -> memref<1x1024xi32, #tpu.memory_space<hbm>>
      %dma_start3A_15 = tpu.memref_squeeze %dma_start3A_14 : memref<1x1024xi32, #tpu.memory_space<hbm>> -> memref<1024xi32, #tpu.memory_space<hbm>>
      %dma_start3A_16 = arith.constant 0 : i32
      %dma_start3A_17 = tpu.memref_slice %arg3[%add3A, %dma_start3A_16] : memref<32x1024xi32, #tpu.memory_space<hbm>> -> memref<1x1024xi32, #tpu.memory_space<hbm>>
      %dma_start3A_18 = tpu.memref_squeeze %dma_start3A_17 : memref<1x1024xi32, #tpu.memory_space<hbm>> -> memref<1024xi32, #tpu.memory_space<hbm>>
      tpu.enqueue_dma source(%dma_start3A_18 : memref<1024xi32, #tpu.memory_space<hbm>>) target(%arg6 : memref<1024xi32, #tpu.memory_space<vmem>>) target_semaphore(%run_scoped3A_13 : memref<!tpu.dma_semaphore, #tpu.memory_space<semaphore_mem>>)
      %dma_wait3A = arith.constant 0 : i32
      %dma_wait3A_19 = tpu.memref_slice %arg3[%add3A, %dma_wait3A] : memref<32x1024xi32, #tpu.memory_space<hbm>> -> memref<1x1024xi32, #tpu.memory_space<hbm>>
      %dma_wait3A_20 = tpu.memref_squeeze %dma_wait3A_19 : memref<1x1024xi32, #tpu.memory_space<hbm>> -> memref<1024xi32, #tpu.memory_space<hbm>>
      %dma_wait3A_21 = arith.constant 0 : i32
      %dma_wait3A_22 = tpu.memref_slice %arg3[%add3A, %dma_wait3A_21] : memref<32x1024xi32, #tpu.memory_space<hbm>> -> memref<1x1024xi32, #tpu.memory_space<hbm>>
      %dma_wait3A_23 = tpu.memref_squeeze %dma_wait3A_22 : memref<1x1024xi32, #tpu.memory_space<hbm>> -> memref<1024xi32, #tpu.memory_space<hbm>>
      tpu.wait_dma2 semaphore(%run_scoped3A_13 : memref<!tpu.dma_semaphore, #tpu.memory_space<semaphore_mem>>) src(%dma_wait3A_23 : memref<1024xi32, #tpu.memory_space<hbm>>) dst(%arg6 : memref<1024xi32, #tpu.memory_space<vmem>>)
      tpu.yield
    }) : () -> ()
    %scan3A = arith.constant 0 : i32
    %scan3A_1 = arith.constant 0 : i32
    %scan3A_2 = arith.constant 64 : i32
    %scan3A_3 = arith.addi %scan3A_1, %scan3A_2 : i32
    %scan3A_4 = arith.constant 1 : i32
    scf.for %scan3A_13 = %scan3A_1 to %scan3A_3 step %scan3A_4  : i32 {
      %mul3A_14 = arith.constant 16 : i32
      %mul3A_15 = arith.muli %scan3A_13, %mul3A_14 : i32
      %get3A = arith.index_cast %mul3A_15 : i32 to index
      %get3A_16 = tpu.vector_load %arg6[%get3A] {strides = array<i32>} : memref<1024xi32, #tpu.memory_space<vmem>>, vector<16xi32>,
      %add3A_17 = arith.constant 0 : i32
      %add3A_18 = vector.broadcast %add3A_17 : i32 to vector<16xi32>
      %add3A_19 = arith.addi %get3A_16, %add3A_18 : vector<16xi32>
      %gather3A = tpu.vector_load_idx %arg5[%add3A_19] : memref<65536xf32, #tpu.memory_space<vmem>>[vector<16xi32>], vector<16xf32>,
      %mul3A_20 = arith.constant 16 : i32
      %mul3A_21 = arith.muli %scan3A_13, %mul3A_20 : i32
      %add3A_22 = arith.constant 0 : i32
      %add3A_23 = arith.addi %add3A_22, %mul3A_21 : i32
      %swap3A = arith.index_cast %add3A_23 : i32 to index
      %swap3A_24 = tpu.vector_load %arg7[%swap3A] {strides = array<i32>} : memref<32768xf32, #tpu.memory_space<vmem>>, vector<16xf32>,
      tpu.vector_store %arg7[%swap3A], %gather3A {strides = array<i32>} : memref<32768xf32, #tpu.memory_space<vmem>>, vector<16xf32>,
      %add3A_25 = arith.constant 1024 : i32
      %add3A_26 = vector.broadcast %add3A_25 : i32 to vector<16xi32>
      %add3A_27 = arith.addi %get3A_16, %add3A_26 : vector<16xi32>
      %gather3A_28 = tpu.vector_load_idx %arg5[%add3A_27] : memref<65536xf32, #tpu.memory_space<vmem>>[vector<16xi32>], vector<16xf32>,
      %mul3A_29 = arith.constant 16 : i32
      %mul3A_30 = arith.muli %scan3A_13, %mul3A_29 : i32
      %add3A_31 = arith.constant 1024 : i32
      %add3A_32 = arith.addi %add3A_31, %mul3A_30 : i32
      %swap3A_33 = arith.index_cast %add3A_32 : i32 to index
      %swap3A_34 = tpu.vector_load %arg7[%swap3A_33] {strides = array<i32>} : memref<32768xf32, #tpu.memory_space<vmem>>, vector<16xf32>,
      tpu.vector_store %arg7[%swap3A_33], %gather3A_28 {strides = array<i32>} : memref<32768xf32, #tpu.memory_space<vmem>>, vector<16xf32>,
      %add3A_35 = arith.constant 2048 : i32
      %add3A_36 = vector.broadcast %add3A_35 : i32 to vector<16xi32>
      %add3A_37 = arith.addi %get3A_16, %add3A_36 : vector<16xi32>
      %gather3A_38 = tpu.vector_load_idx %arg5[%add3A_37] : memref<65536xf32, #tpu.memory_space<vmem>>[vector<16xi32>], vector<16xf32>,
      %mul3A_39 = arith.constant 16 : i32
      %mul3A_40 = arith.muli %scan3A_13, %mul3A_39 : i32
      %add3A_41 = arith.constant 2048 : i32
      %add3A_42 = arith.addi %add3A_41, %mul3A_40 : i32
      %swap3A_43 = arith.index_cast %add3A_42 : i32 to index
      %swap3A_44 = tpu.vector_load %arg7[%swap3A_43] {strides = array<i32>} : memref<32768xf32, #tpu.memory_space<vmem>>, vector<16xf32>,
      tpu.vector_store %arg7[%swap3A_43], %gather3A_38 {strides = array<i32>} : memref<32768xf32, #tpu.memory_space<vmem>>, vector<16xf32>,
      %add3A_45 = arith.constant 3072 : i32
      %add3A_46 = vector.broadcast %add3A_45 : i32 to vector<16xi32>
      %add3A_47 = arith.addi %get3A_16, %add3A_46 : vector<16xi32>
      %gather3A_48 = tpu.vector_load_idx %arg5[%add3A_47] : memref<65536xf32, #tpu.memory_space<vmem>>[vector<16xi32>], vector<16xf32>,
      %mul3A_49 = arith.constant 16 : i32
      %mul3A_50 = arith.muli %scan3A_13, %mul3A_49 : i32
      %add3A_51 = arith.constant 3072 : i32
      %add3A_52 = arith.addi %add3A_51, %mul3A_50 : i32
      %swap3A_53 = arith.index_cast %add3A_52 : i32 to index
      %swap3A_54 = tpu.vector_load %arg7[%swap3A_53] {strides = array<i32>} : memref<32768xf32, #tpu.memory_space<vmem>>, vector<16xf32>,
      tpu.vector_store %arg7[%swap3A_53], %gather3A_48 {strides = array<i32>} : memref<32768xf32, #tpu.memory_space<vmem>>, vector<16xf32>,
      %add3A_55 = arith.constant 4096 : i32
      %add3A_56 = vector.broadcast %add3A_55 : i32 to vector<16xi32>
      %add3A_57 = arith.addi %get3A_16, %add3A_56 : vector<16xi32>
      %gather3A_58 = tpu.vector_load_idx %arg5[%add3A_57] : memref<65536xf32, #tpu.memory_space<vmem>>[vector<16xi32>], vector<16xf32>,
      %mul3A_59 = arith.constant 16 : i32
      %mul3A_60 = arith.muli %scan3A_13, %mul3A_59 : i32
      %add3A_61 = arith.constant 4096 : i32
      %add3A_62 = arith.addi %add3A_61, %mul3A_60 : i32
      %swap3A_63 = arith.index_cast %add3A_62 : i32 to index
      %swap3A_64 = tpu.vector_load %arg7[%swap3A_63] {strides = array<i32>} : memref<32768xf32, #tpu.memory_space<vmem>>, vector<16xf32>,
      tpu.vector_store %arg7[%swap3A_63], %gather3A_58 {strides = array<i32>} : memref<32768xf32, #tpu.memory_space<vmem>>, vector<16xf32>,
      %add3A_65 = arith.constant 5120 : i32
      %add3A_66 = vector.broadcast %add3A_65 : i32 to vector<16xi32>
      %add3A_67 = arith.addi %get3A_16, %add3A_66 : vector<16xi32>
      %gather3A_68 = tpu.vector_load_idx %arg5[%add3A_67] : memref<65536xf32, #tpu.memory_space<vmem>>[vector<16xi32>], vector<16xf32>,
      %mul3A_69 = arith.constant 16 : i32
      %mul3A_70 = arith.muli %scan3A_13, %mul3A_69 : i32
      %add3A_71 = arith.constant 5120 : i32
      %add3A_72 = arith.addi %add3A_71, %mul3A_70 : i32
      %swap3A_73 = arith.index_cast %add3A_72 : i32 to index
      %swap3A_74 = tpu.vector_load %arg7[%swap3A_73] {strides = array<i32>} : memref<32768xf32, #tpu.memory_space<vmem>>, vector<16xf32>,
      tpu.vector_store %arg7[%swap3A_73], %gather3A_68 {strides = array<i32>} : memref<32768xf32, #tpu.memory_space<vmem>>, vector<16xf32>,
      %add3A_75 = arith.constant 6144 : i32
      %add3A_76 = vector.broadcast %add3A_75 : i32 to vector<16xi32>
      %add3A_77 = arith.addi %get3A_16, %add3A_76 : vector<16xi32>
      %gather3A_78 = tpu.vector_load_idx %arg5[%add3A_77] : memref<65536xf32, #tpu.memory_space<vmem>>[vector<16xi32>], vector<16xf32>,
      %mul3A_79 = arith.constant 16 : i32
      %mul3A_80 = arith.muli %scan3A_13, %mul3A_79 : i32
      %add3A_81 = arith.constant 6144 : i32
      %add3A_82 = arith.addi %add3A_81, %mul3A_80 : i32
      %swap3A_83 = arith.index_cast %add3A_82 : i32 to index
      %swap3A_84 = tpu.vector_load %arg7[%swap3A_83] {strides = array<i32>} : memref<32768xf32, #tpu.memory_space<vmem>>, vector<16xf32>,
      tpu.vector_store %arg7[%swap3A_83], %gather3A_78 {strides = array<i32>} : memref<32768xf32, #tpu.memory_space<vmem>>, vector<16xf32>,
      %add3A_85 = arith.constant 7168 : i32
      %add3A_86 = vector.broadcast %add3A_85 : i32 to vector<16xi32>
      %add3A_87 = arith.addi %get3A_16, %add3A_86 : vector<16xi32>
      %gather3A_88 = tpu.vector_load_idx %arg5[%add3A_87] : memref<65536xf32, #tpu.memory_space<vmem>>[vector<16xi32>], vector<16xf32>,
      %mul3A_89 = arith.constant 16 : i32
      %mul3A_90 = arith.muli %scan3A_13, %mul3A_89 : i32
      %add3A_91 = arith.constant 7168 : i32
      %add3A_92 = arith.addi %add3A_91, %mul3A_90 : i32
      %swap3A_93 = arith.index_cast %add3A_92 : i32 to index
      %swap3A_94 = tpu.vector_load %arg7[%swap3A_93] {strides = array<i32>} : memref<32768xf32, #tpu.memory_space<vmem>>, vector<16xf32>,
      tpu.vector_store %arg7[%swap3A_93], %gather3A_88 {strides = array<i32>} : memref<32768xf32, #tpu.memory_space<vmem>>, vector<16xf32>,
      %add3A_95 = arith.constant 8192 : i32
      %add3A_96 = vector.broadcast %add3A_95 : i32 to vector<16xi32>
      %add3A_97 = arith.addi %get3A_16, %add3A_96 : vector<16xi32>
      %gather3A_98 = tpu.vector_load_idx %arg5[%add3A_97] : memref<65536xf32, #tpu.memory_space<vmem>>[vector<16xi32>], vector<16xf32>,
      %mul3A_99 = arith.constant 16 : i32
      %mul3A_100 = arith.muli %scan3A_13, %mul3A_99 : i32
      %add3A_101 = arith.constant 8192 : i32
      %add3A_102 = arith.addi %add3A_101, %mul3A_100 : i32
      %swap3A_103 = arith.index_cast %add3A_102 : i32 to index
      %swap3A_104 = tpu.vector_load %arg7[%swap3A_103] {strides = array<i32>} : memref<32768xf32, #tpu.memory_space<vmem>>, vector<16xf32>,
      tpu.vector_store %arg7[%swap3A_103], %gather3A_98 {strides = array<i32>} : memref<32768xf32, #tpu.memory_space<vmem>>, vector<16xf32>,
      %add3A_105 = arith.constant 9216 : i32
      %add3A_106 = vector.broadcast %add3A_105 : i32 to vector<16xi32>
      %add3A_107 = arith.addi %get3A_16, %add3A_106 : vector<16xi32>
      %gather3A_108 = tpu.vector_load_idx %arg5[%add3A_107] : memref<65536xf32, #tpu.memory_space<vmem>>[vector<16xi32>], vector<16xf32>,
      %mul3A_109 = arith.constant 16 : i32
      %mul3A_110 = arith.muli %scan3A_13, %mul3A_109 : i32
      %add3A_111 = arith.constant 9216 : i32
      %add3A_112 = arith.addi %add3A_111, %mul3A_110 : i32
      %swap3A_113 = arith.index_cast %add3A_112 : i32 to index
      %swap3A_114 = tpu.vector_load %arg7[%swap3A_113] {strides = array<i32>} : memref<32768xf32, #tpu.memory_space<vmem>>, vector<16xf32>,
      tpu.vector_store %arg7[%swap3A_113], %gather3A_108 {strides = array<i32>} : memref<32768xf32, #tpu.memory_space<vmem>>, vector<16xf32>,
      %add3A_115 = arith.constant 10240 : i32
      %add3A_116 = vector.broadcast %add3A_115 : i32 to vector<16xi32>
      %add3A_117 = arith.addi %get3A_16, %add3A_116 : vector<16xi32>
      %gather3A_118 = tpu.vector_load_idx %arg5[%add3A_117] : memref<65536xf32, #tpu.memory_space<vmem>>[vector<16xi32>], vector<16xf32>,
      %mul3A_119 = arith.constant 16 : i32
      %mul3A_120 = arith.muli %scan3A_13, %mul3A_119 : i32
      %add3A_121 = arith.constant 10240 : i32
      %add3A_122 = arith.addi %add3A_121, %mul3A_120 : i32
      %swap3A_123 = arith.index_cast %add3A_122 : i32 to index
      %swap3A_124 = tpu.vector_load %arg7[%swap3A_123] {strides = array<i32>} : memref<32768xf32, #tpu.memory_space<vmem>>, vector<16xf32>,
      tpu.vector_store %arg7[%swap3A_123], %gather3A_118 {strides = array<i32>} : memref<32768xf32, #tpu.memory_space<vmem>>, vector<16xf32>,
      %add3A_125 = arith.constant 11264 : i32
      %add3A_126 = vector.broadcast %add3A_125 : i32 to vector<16xi32>
      %add3A_127 = arith.addi %get3A_16, %add3A_126 : vector<16xi32>
      %gather3A_128 = tpu.vector_load_idx %arg5[%add3A_127] : memref<65536xf32, #tpu.memory_space<vmem>>[vector<16xi32>], vector<16xf32>,
      %mul3A_129 = arith.constant 16 : i32
      %mul3A_130 = arith.muli %scan3A_13, %mul3A_129 : i32
      %add3A_131 = arith.constant 11264 : i32
      %add3A_132 = arith.addi %add3A_131, %mul3A_130 : i32
      %swap3A_133 = arith.index_cast %add3A_132 : i32 to index
      %swap3A_134 = tpu.vector_load %arg7[%swap3A_133] {strides = array<i32>} : memref<32768xf32, #tpu.memory_space<vmem>>, vector<16xf32>,
      tpu.vector_store %arg7[%swap3A_133], %gather3A_128 {strides = array<i32>} : memref<32768xf32, #tpu.memory_space<vmem>>, vector<16xf32>,
      %add3A_135 = arith.constant 12288 : i32
      %add3A_136 = vector.broadcast %add3A_135 : i32 to vector<16xi32>
      %add3A_137 = arith.addi %get3A_16, %add3A_136 : vector<16xi32>
      %gather3A_138 = tpu.vector_load_idx %arg5[%add3A_137] : memref<65536xf32, #tpu.memory_space<vmem>>[vector<16xi32>], vector<16xf32>,
      %mul3A_139 = arith.constant 16 : i32
      %mul3A_140 = arith.muli %scan3A_13, %mul3A_139 : i32
      %add3A_141 = arith.constant 12288 : i32
      %add3A_142 = arith.addi %add3A_141, %mul3A_140 : i32
      %swap3A_143 = arith.index_cast %add3A_142 : i32 to index
      %swap3A_144 = tpu.vector_load %arg7[%swap3A_143] {strides = array<i32>} : memref<32768xf32, #tpu.memory_space<vmem>>, vector<16xf32>,
      tpu.vector_store %arg7[%swap3A_143], %gather3A_138 {strides = array<i32>} : memref<32768xf32, #tpu.memory_space<vmem>>, vector<16xf32>,
      %add3A_145 = arith.constant 13312 : i32
      %add3A_146 = vector.broadcast %add3A_145 : i32 to vector<16xi32>
      %add3A_147 = arith.addi %get3A_16, %add3A_146 : vector<16xi32>
      %gather3A_148 = tpu.vector_load_idx %arg5[%add3A_147] : memref<65536xf32, #tpu.memory_space<vmem>>[vector<16xi32>], vector<16xf32>,
      %mul3A_149 = arith.constant 16 : i32
      %mul3A_150 = arith.muli %scan3A_13, %mul3A_149 : i32
      %add3A_151 = arith.constant 13312 : i32
      %add3A_152 = arith.addi %add3A_151, %mul3A_150 : i32
      %swap3A_153 = arith.index_cast %add3A_152 : i32 to index
      %swap3A_154 = tpu.vector_load %arg7[%swap3A_153] {strides = array<i32>} : memref<32768xf32, #tpu.memory_space<vmem>>, vector<16xf32>,
      tpu.vector_store %arg7[%swap3A_153], %gather3A_148 {strides = array<i32>} : memref<32768xf32, #tpu.memory_space<vmem>>, vector<16xf32>,
      %add3A_155 = arith.constant 14336 : i32
      %add3A_156 = vector.broadcast %add3A_155 : i32 to vector<16xi32>
      %add3A_157 = arith.addi %get3A_16, %add3A_156 : vector<16xi32>
      %gather3A_158 = tpu.vector_load_idx %arg5[%add3A_157] : memref<65536xf32, #tpu.memory_space<vmem>>[vector<16xi32>], vector<16xf32>,
      %mul3A_159 = arith.constant 16 : i32
      %mul3A_160 = arith.muli %scan3A_13, %mul3A_159 : i32
      %add3A_161 = arith.constant 14336 : i32
      %add3A_162 = arith.addi %add3A_161, %mul3A_160 : i32
      %swap3A_163 = arith.index_cast %add3A_162 : i32 to index
      %swap3A_164 = tpu.vector_load %arg7[%swap3A_163] {strides = array<i32>} : memref<32768xf32, #tpu.memory_space<vmem>>, vector<16xf32>,
      tpu.vector_store %arg7[%swap3A_163], %gather3A_158 {strides = array<i32>} : memref<32768xf32, #tpu.memory_space<vmem>>, vector<16xf32>,
      %add3A_165 = arith.constant 15360 : i32
      %add3A_166 = vector.broadcast %add3A_165 : i32 to vector<16xi32>
      %add3A_167 = arith.addi %get3A_16, %add3A_166 : vector<16xi32>
      %gather3A_168 = tpu.vector_load_idx %arg5[%add3A_167] : memref<65536xf32, #tpu.memory_space<vmem>>[vector<16xi32>], vector<16xf32>,
      %mul3A_169 = arith.constant 16 : i32
      %mul3A_170 = arith.muli %scan3A_13, %mul3A_169 : i32
      %add3A_171 = arith.constant 15360 : i32
      %add3A_172 = arith.addi %add3A_171, %mul3A_170 : i32
      %swap3A_173 = arith.index_cast %add3A_172 : i32 to index
      %swap3A_174 = tpu.vector_load %arg7[%swap3A_173] {strides = array<i32>} : memref<32768xf32, #tpu.memory_space<vmem>>, vector<16xf32>,
      tpu.vector_store %arg7[%swap3A_173], %gather3A_168 {strides = array<i32>} : memref<32768xf32, #tpu.memory_space<vmem>>, vector<16xf32>,
      %add3A_175 = arith.constant 16384 : i32
      %add3A_176 = vector.broadcast %add3A_175 : i32 to vector<16xi32>
      %add3A_177 = arith.addi %get3A_16, %add3A_176 : vector<16xi32>
      %gather3A_178 = tpu.vector_load_idx %arg5[%add3A_177] : memref<65536xf32, #tpu.memory_space<vmem>>[vector<16xi32>], vector<16xf32>,
      %mul3A_179 = arith.constant 16 : i32
      %mul3A_180 = arith.muli %scan3A_13, %mul3A_179 : i32
      %add3A_181 = arith.constant 16384 : i32
      %add3A_182 = arith.addi %add3A_181, %mul3A_180 : i32
      %swap3A_183 = arith.index_cast %add3A_182 : i32 to index
      %swap3A_184 = tpu.vector_load %arg7[%swap3A_183] {strides = array<i32>} : memref<32768xf32, #tpu.memory_space<vmem>>, vector<16xf32>,
      tpu.vector_store %arg7[%swap3A_183], %gather3A_178 {strides = array<i32>} : memref<32768xf32, #tpu.memory_space<vmem>>, vector<16xf32>,
      %add3A_185 = arith.constant 17408 : i32
      %add3A_186 = vector.broadcast %add3A_185 : i32 to vector<16xi32>
      %add3A_187 = arith.addi %get3A_16, %add3A_186 : vector<16xi32>
      %gather3A_188 = tpu.vector_load_idx %arg5[%add3A_187] : memref<65536xf32, #tpu.memory_space<vmem>>[vector<16xi32>], vector<16xf32>,
      %mul3A_189 = arith.constant 16 : i32
      %mul3A_190 = arith.muli %scan3A_13, %mul3A_189 : i32
      %add3A_191 = arith.constant 17408 : i32
      %add3A_192 = arith.addi %add3A_191, %mul3A_190 : i32
      %swap3A_193 = arith.index_cast %add3A_192 : i32 to index
      %swap3A_194 = tpu.vector_load %arg7[%swap3A_193] {strides = array<i32>} : memref<32768xf32, #tpu.memory_space<vmem>>, vector<16xf32>,
      tpu.vector_store %arg7[%swap3A_193], %gather3A_188 {strides = array<i32>} : memref<32768xf32, #tpu.memory_space<vmem>>, vector<16xf32>,
      %add3A_195 = arith.constant 18432 : i32
      %add3A_196 = vector.broadcast %add3A_195 : i32 to vector<16xi32>
      %add3A_197 = arith.addi %get3A_16, %add3A_196 : vector<16xi32>
      %gather3A_198 = tpu.vector_load_idx %arg5[%add3A_197] : memref<65536xf32, #tpu.memory_space<vmem>>[vector<16xi32>], vector<16xf32>,
      %mul3A_199 = arith.constant 16 : i32
      %mul3A_200 = arith.muli %scan3A_13, %mul3A_199 : i32
      %add3A_201 = arith.constant 18432 : i32
      %add3A_202 = arith.addi %add3A_201, %mul3A_200 : i32
      %swap3A_203 = arith.index_cast %add3A_202 : i32 to index
      %swap3A_204 = tpu.vector_load %arg7[%swap3A_203] {strides = array<i32>} : memref<32768xf32, #tpu.memory_space<vmem>>, vector<16xf32>,
      tpu.vector_store %arg7[%swap3A_203], %gather3A_198 {strides = array<i32>} : memref<32768xf32, #tpu.memory_space<vmem>>, vector<16xf32>,
      %add3A_205 = arith.constant 19456 : i32
      %add3A_206 = vector.broadcast %add3A_205 : i32 to vector<16xi32>
      %add3A_207 = arith.addi %get3A_16, %add3A_206 : vector<16xi32>
      %gather3A_208 = tpu.vector_load_idx %arg5[%add3A_207] : memref<65536xf32, #tpu.memory_space<vmem>>[vector<16xi32>], vector<16xf32>,
      %mul3A_209 = arith.constant 16 : i32
      %mul3A_210 = arith.muli %scan3A_13, %mul3A_209 : i32
      %add3A_211 = arith.constant 19456 : i32
      %add3A_212 = arith.addi %add3A_211, %mul3A_210 : i32
      %swap3A_213 = arith.index_cast %add3A_212 : i32 to index
      %swap3A_214 = tpu.vector_load %arg7[%swap3A_213] {strides = array<i32>} : memref<32768xf32, #tpu.memory_space<vmem>>, vector<16xf32>,
      tpu.vector_store %arg7[%swap3A_213], %gather3A_208 {strides = array<i32>} : memref<32768xf32, #tpu.memory_space<vmem>>, vector<16xf32>,
      %add3A_215 = arith.constant 20480 : i32
      %add3A_216 = vector.broadcast %add3A_215 : i32 to vector<16xi32>
      %add3A_217 = arith.addi %get3A_16, %add3A_216 : vector<16xi32>
      %gather3A_218 = tpu.vector_load_idx %arg5[%add3A_217] : memref<65536xf32, #tpu.memory_space<vmem>>[vector<16xi32>], vector<16xf32>,
      %mul3A_219 = arith.constant 16 : i32
      %mul3A_220 = arith.muli %scan3A_13, %mul3A_219 : i32
      %add3A_221 = arith.constant 20480 : i32
      %add3A_222 = arith.addi %add3A_221, %mul3A_220 : i32
      %swap3A_223 = arith.index_cast %add3A_222 : i32 to index
      %swap3A_224 = tpu.vector_load %arg7[%swap3A_223] {strides = array<i32>} : memref<32768xf32, #tpu.memory_space<vmem>>, vector<16xf32>,
      tpu.vector_store %arg7[%swap3A_223], %gather3A_218 {strides = array<i32>} : memref<32768xf32, #tpu.memory_space<vmem>>, vector<16xf32>,
      %add3A_225 = arith.constant 21504 : i32
      %add3A_226 = vector.broadcast %add3A_225 : i32 to vector<16xi32>
      %add3A_227 = arith.addi %get3A_16, %add3A_226 : vector<16xi32>
      %gather3A_228 = tpu.vector_load_idx %arg5[%add3A_227] : memref<65536xf32, #tpu.memory_space<vmem>>[vector<16xi32>], vector<16xf32>,
      %mul3A_229 = arith.constant 16 : i32
      %mul3A_230 = arith.muli %scan3A_13, %mul3A_229 : i32
      %add3A_231 = arith.constant 21504 : i32
      %add3A_232 = arith.addi %add3A_231, %mul3A_230 : i32
      %swap3A_233 = arith.index_cast %add3A_232 : i32 to index
      %swap3A_234 = tpu.vector_load %arg7[%swap3A_233] {strides = array<i32>} : memref<32768xf32, #tpu.memory_space<vmem>>, vector<16xf32>,
      tpu.vector_store %arg7[%swap3A_233], %gather3A_228 {strides = array<i32>} : memref<32768xf32, #tpu.memory_space<vmem>>, vector<16xf32>,
      %add3A_235 = arith.constant 22528 : i32
      %add3A_236 = vector.broadcast %add3A_235 : i32 to vector<16xi32>
      %add3A_237 = arith.addi %get3A_16, %add3A_236 : vector<16xi32>
      %gather3A_238 = tpu.vector_load_idx %arg5[%add3A_237] : memref<65536xf32, #tpu.memory_space<vmem>>[vector<16xi32>], vector<16xf32>,
      %mul3A_239 = arith.constant 16 : i32
      %mul3A_240 = arith.muli %scan3A_13, %mul3A_239 : i32
      %add3A_241 = arith.constant 22528 : i32
      %add3A_242 = arith.addi %add3A_241, %mul3A_240 : i32
      %swap3A_243 = arith.index_cast %add3A_242 : i32 to index
      %swap3A_244 = tpu.vector_load %arg7[%swap3A_243] {strides = array<i32>} : memref<32768xf32, #tpu.memory_space<vmem>>, vector<16xf32>,
      tpu.vector_store %arg7[%swap3A_243], %gather3A_238 {strides = array<i32>} : memref<32768xf32, #tpu.memory_space<vmem>>, vector<16xf32>,
      %add3A_245 = arith.constant 23552 : i32
      %add3A_246 = vector.broadcast %add3A_245 : i32 to vector<16xi32>
      %add3A_247 = arith.addi %get3A_16, %add3A_246 : vector<16xi32>
      %gather3A_248 = tpu.vector_load_idx %arg5[%add3A_247] : memref<65536xf32, #tpu.memory_space<vmem>>[vector<16xi32>], vector<16xf32>,
      %mul3A_249 = arith.constant 16 : i32
      %mul3A_250 = arith.muli %scan3A_13, %mul3A_249 : i32
      %add3A_251 = arith.constant 23552 : i32
      %add3A_252 = arith.addi %add3A_251, %mul3A_250 : i32
      %swap3A_253 = arith.index_cast %add3A_252 : i32 to index
      %swap3A_254 = tpu.vector_load %arg7[%swap3A_253] {strides = array<i32>} : memref<32768xf32, #tpu.memory_space<vmem>>, vector<16xf32>,
      tpu.vector_store %arg7[%swap3A_253], %gather3A_248 {strides = array<i32>} : memref<32768xf32, #tpu.memory_space<vmem>>, vector<16xf32>,
      %add3A_255 = arith.constant 24576 : i32
      %add3A_256 = vector.broadcast %add3A_255 : i32 to vector<16xi32>
      %add3A_257 = arith.addi %get3A_16, %add3A_256 : vector<16xi32>
      %gather3A_258 = tpu.vector_load_idx %arg5[%add3A_257] : memref<65536xf32, #tpu.memory_space<vmem>>[vector<16xi32>], vector<16xf32>,
      %mul3A_259 = arith.constant 16 : i32
      %mul3A_260 = arith.muli %scan3A_13, %mul3A_259 : i32
      %add3A_261 = arith.constant 24576 : i32
      %add3A_262 = arith.addi %add3A_261, %mul3A_260 : i32
      %swap3A_263 = arith.index_cast %add3A_262 : i32 to index
      %swap3A_264 = tpu.vector_load %arg7[%swap3A_263] {strides = array<i32>} : memref<32768xf32, #tpu.memory_space<vmem>>, vector<16xf32>,
      tpu.vector_store %arg7[%swap3A_263], %gather3A_258 {strides = array<i32>} : memref<32768xf32, #tpu.memory_space<vmem>>, vector<16xf32>,
      %add3A_265 = arith.constant 25600 : i32
      %add3A_266 = vector.broadcast %add3A_265 : i32 to vector<16xi32>
      %add3A_267 = arith.addi %get3A_16, %add3A_266 : vector<16xi32>
      %gather3A_268 = tpu.vector_load_idx %arg5[%add3A_267] : memref<65536xf32, #tpu.memory_space<vmem>>[vector<16xi32>], vector<16xf32>,
      %mul3A_269 = arith.constant 16 : i32
      %mul3A_270 = arith.muli %scan3A_13, %mul3A_269 : i32
      %add3A_271 = arith.constant 25600 : i32
      %add3A_272 = arith.addi %add3A_271, %mul3A_270 : i32
      %swap3A_273 = arith.index_cast %add3A_272 : i32 to index
      %swap3A_274 = tpu.vector_load %arg7[%swap3A_273] {strides = array<i32>} : memref<32768xf32, #tpu.memory_space<vmem>>, vector<16xf32>,
      tpu.vector_store %arg7[%swap3A_273], %gather3A_268 {strides = array<i32>} : memref<32768xf32, #tpu.memory_space<vmem>>, vector<16xf32>,
      %add3A_275 = arith.constant 26624 : i32
      %add3A_276 = vector.broadcast %add3A_275 : i32 to vector<16xi32>
      %add3A_277 = arith.addi %get3A_16, %add3A_276 : vector<16xi32>
      %gather3A_278 = tpu.vector_load_idx %arg5[%add3A_277] : memref<65536xf32, #tpu.memory_space<vmem>>[vector<16xi32>], vector<16xf32>,
      %mul3A_279 = arith.constant 16 : i32
      %mul3A_280 = arith.muli %scan3A_13, %mul3A_279 : i32
      %add3A_281 = arith.constant 26624 : i32
      %add3A_282 = arith.addi %add3A_281, %mul3A_280 : i32
      %swap3A_283 = arith.index_cast %add3A_282 : i32 to index
      %swap3A_284 = tpu.vector_load %arg7[%swap3A_283] {strides = array<i32>} : memref<32768xf32, #tpu.memory_space<vmem>>, vector<16xf32>,
      tpu.vector_store %arg7[%swap3A_283], %gather3A_278 {strides = array<i32>} : memref<32768xf32, #tpu.memory_space<vmem>>, vector<16xf32>,
      %add3A_285 = arith.constant 27648 : i32
      %add3A_286 = vector.broadcast %add3A_285 : i32 to vector<16xi32>
      %add3A_287 = arith.addi %get3A_16, %add3A_286 : vector<16xi32>
      %gather3A_288 = tpu.vector_load_idx %arg5[%add3A_287] : memref<65536xf32, #tpu.memory_space<vmem>>[vector<16xi32>], vector<16xf32>,
      %mul3A_289 = arith.constant 16 : i32
      %mul3A_290 = arith.muli %scan3A_13, %mul3A_289 : i32
      %add3A_291 = arith.constant 27648 : i32
      %add3A_292 = arith.addi %add3A_291, %mul3A_290 : i32
      %swap3A_293 = arith.index_cast %add3A_292 : i32 to index
      %swap3A_294 = tpu.vector_load %arg7[%swap3A_293] {strides = array<i32>} : memref<32768xf32, #tpu.memory_space<vmem>>, vector<16xf32>,
      tpu.vector_store %arg7[%swap3A_293], %gather3A_288 {strides = array<i32>} : memref<32768xf32, #tpu.memory_space<vmem>>, vector<16xf32>,
      %add3A_295 = arith.constant 28672 : i32
      %add3A_296 = vector.broadcast %add3A_295 : i32 to vector<16xi32>
      %add3A_297 = arith.addi %get3A_16, %add3A_296 : vector<16xi32>
      %gather3A_298 = tpu.vector_load_idx %arg5[%add3A_297] : memref<65536xf32, #tpu.memory_space<vmem>>[vector<16xi32>], vector<16xf32>,
      %mul3A_299 = arith.constant 16 : i32
      %mul3A_300 = arith.muli %scan3A_13, %mul3A_299 : i32
      %add3A_301 = arith.constant 28672 : i32
      %add3A_302 = arith.addi %add3A_301, %mul3A_300 : i32
      %swap3A_303 = arith.index_cast %add3A_302 : i32 to index
      %swap3A_304 = tpu.vector_load %arg7[%swap3A_303] {strides = array<i32>} : memref<32768xf32, #tpu.memory_space<vmem>>, vector<16xf32>,
      tpu.vector_store %arg7[%swap3A_303], %gather3A_298 {strides = array<i32>} : memref<32768xf32, #tpu.memory_space<vmem>>, vector<16xf32>,
      %add3A_305 = arith.constant 29696 : i32
      %add3A_306 = vector.broadcast %add3A_305 : i32 to vector<16xi32>
      %add3A_307 = arith.addi %get3A_16, %add3A_306 : vector<16xi32>
      %gather3A_308 = tpu.vector_load_idx %arg5[%add3A_307] : memref<65536xf32, #tpu.memory_space<vmem>>[vector<16xi32>], vector<16xf32>,
      %mul3A_309 = arith.constant 16 : i32
      %mul3A_310 = arith.muli %scan3A_13, %mul3A_309 : i32
      %add3A_311 = arith.constant 29696 : i32
      %add3A_312 = arith.addi %add3A_311, %mul3A_310 : i32
      %swap3A_313 = arith.index_cast %add3A_312 : i32 to index
      %swap3A_314 = tpu.vector_load %arg7[%swap3A_313] {strides = array<i32>} : memref<32768xf32, #tpu.memory_space<vmem>>, vector<16xf32>,
      tpu.vector_store %arg7[%swap3A_313], %gather3A_308 {strides = array<i32>} : memref<32768xf32, #tpu.memory_space<vmem>>, vector<16xf32>,
      %add3A_315 = arith.constant 30720 : i32
      %add3A_316 = vector.broadcast %add3A_315 : i32 to vector<16xi32>
      %add3A_317 = arith.addi %get3A_16, %add3A_316 : vector<16xi32>
      %gather3A_318 = tpu.vector_load_idx %arg5[%add3A_317] : memref<65536xf32, #tpu.memory_space<vmem>>[vector<16xi32>], vector<16xf32>,
      %mul3A_319 = arith.constant 16 : i32
      %mul3A_320 = arith.muli %scan3A_13, %mul3A_319 : i32
      %add3A_321 = arith.constant 30720 : i32
      %add3A_322 = arith.addi %add3A_321, %mul3A_320 : i32
      %swap3A_323 = arith.index_cast %add3A_322 : i32 to index
      %swap3A_324 = tpu.vector_load %arg7[%swap3A_323] {strides = array<i32>} : memref<32768xf32, #tpu.memory_space<vmem>>, vector<16xf32>,
      tpu.vector_store %arg7[%swap3A_323], %gather3A_318 {strides = array<i32>} : memref<32768xf32, #tpu.memory_space<vmem>>, vector<16xf32>,
      %add3A_325 = arith.constant 31744 : i32
      %add3A_326 = vector.broadcast %add3A_325 : i32 to vector<16xi32>
      %add3A_327 = arith.addi %get3A_16, %add3A_326 : vector<16xi32>
      %gather3A_328 = tpu.vector_load_idx %arg5[%add3A_327] : memref<65536xf32, #tpu.memory_space<vmem>>[vector<16xi32>], vector<16xf32>,
      %mul3A_329 = arith.constant 16 : i32
      %mul3A_330 = arith.muli %scan3A_13, %mul3A_329 : i32
      %add3A_331 = arith.constant 31744 : i32
      %add3A_332 = arith.addi %add3A_331, %mul3A_330 : i32
      %swap3A_333 = arith.index_cast %add3A_332 : i32 to index
      %swap3A_334 = tpu.vector_load %arg7[%swap3A_333] {strides = array<i32>} : memref<32768xf32, #tpu.memory_space<vmem>>, vector<16xf32>,
      tpu.vector_store %arg7[%swap3A_333], %gather3A_328 {strides = array<i32>} : memref<32768xf32, #tpu.memory_space<vmem>>, vector<16xf32>,
    }
    %scan3A_5 = arith.constant 64 : i32
    %run_scoped3A = arith.constant 0 : i32
    "tpu.region"() ({
      %run_scoped3A_13 = tpu.sem_alloc : memref<!tpu.dma_semaphore, #tpu.memory_space<semaphore_mem>>
      %dma_start3A = arith.constant 0 : i32
      %dma_start3A_14 = tpu.memref_slice %arg4[%add3A, %run_scoped3A, %dma_start3A] : memref<32x2x32768xf32, #tpu.memory_space<hbm>> -> memref<1x1x32768xf32, #tpu.memory_space<hbm>>
      %dma_start3A_15 = tpu.memref_squeeze %dma_start3A_14 : memref<1x1x32768xf32, #tpu.memory_space<hbm>> -> memref<32768xf32, #tpu.memory_space<hbm>>
      %dma_start3A_16 = arith.constant 0 : i32
      %dma_start3A_17 = tpu.memref_slice %arg4[%add3A, %run_scoped3A, %dma_start3A_16] : memref<32x2x32768xf32, #tpu.memory_space<hbm>> -> memref<1x1x32768xf32, #tpu.memory_space<hbm>>
      %dma_start3A_18 = tpu.memref_squeeze %dma_start3A_17 : memref<1x1x32768xf32, #tpu.memory_space<hbm>> -> memref<32768xf32, #tpu.memory_space<hbm>>
      tpu.enqueue_dma source(%arg7 : memref<32768xf32, #tpu.memory_space<vmem>>) target(%dma_start3A_18 : memref<32768xf32, #tpu.memory_space<hbm>>) target_semaphore(%run_scoped3A_13 : memref<!tpu.dma_semaphore, #tpu.memory_space<semaphore_mem>>)
      %dma_wait3A = arith.constant 0 : i32
      %dma_wait3A_19 = tpu.memref_slice %arg4[%add3A, %run_scoped3A, %dma_wait3A] : memref<32x2x32768xf32, #tpu.memory_space<hbm>> -> memref<1x1x32768xf32, #tpu.memory_space<hbm>>
      %dma_wait3A_20 = tpu.memref_squeeze %dma_wait3A_19 : memref<1x1x32768xf32, #tpu.memory_space<hbm>> -> memref<32768xf32, #tpu.memory_space<hbm>>
      %dma_wait3A_21 = arith.constant 0 : i32
      %dma_wait3A_22 = tpu.memref_slice %arg4[%add3A, %run_scoped3A, %dma_wait3A_21] : memref<32x2x32768xf32, #tpu.memory_space<hbm>> -> memref<1x1x32768xf32, #tpu.memory_space<hbm>>
      %dma_wait3A_23 = tpu.memref_squeeze %dma_wait3A_22 : memref<1x1x32768xf32, #tpu.memory_space<hbm>> -> memref<32768xf32, #tpu.memory_space<hbm>>
      tpu.wait_dma2 semaphore(%run_scoped3A_13 : memref<!tpu.dma_semaphore, #tpu.memory_space<semaphore_mem>>) src(%arg7 : memref<32768xf32, #tpu.memory_space<vmem>>) dst(%dma_wait3A_23 : memref<32768xf32, #tpu.memory_space<hbm>>)
      tpu.yield
    }) : () -> ()
    %scan3A_6 = arith.constant 0 : i32
    %scan3A_7 = arith.constant 0 : i32
    %scan3A_8 = arith.constant 64 : i32
    %scan3A_9 = arith.addi %scan3A_7, %scan3A_8 : i32
    %scan3A_10 = arith.constant 1 : i32
    scf.for %scan3A_13 = %scan3A_7 to %scan3A_9 step %scan3A_10  : i32 {
      %mul3A_14 = arith.constant 16 : i32
      %mul3A_15 = arith.muli %scan3A_13, %mul3A_14 : i32
      %get3A = arith.index_cast %mul3A_15 : i32 to index
      %get3A_16 = tpu.vector_load %arg6[%get3A] {strides = array<i32>} : memref<1024xi32, #tpu.memory_space<vmem>>, vector<16xi32>,
      %add3A_17 = arith.constant 32768 : i32
      %add3A_18 = vector.broadcast %add3A_17 : i32 to vector<16xi32>
      %add3A_19 = arith.addi %get3A_16, %add3A_18 : vector<16xi32>
      %gather3A = tpu.vector_load_idx %arg5[%add3A_19] : memref<65536xf32, #tpu.memory_space<vmem>>[vector<16xi32>], vector<16xf32>,
      %mul3A_20 = arith.constant 16 : i32
      %mul3A_21 = arith.muli %scan3A_13, %mul3A_20 : i32
      %add3A_22 = arith.constant 0 : i32
      %add3A_23 = arith.addi %add3A_22, %mul3A_21 : i32
      %swap3A = arith.index_cast %add3A_23 : i32 to index
      %swap3A_24 = tpu.vector_load %arg7[%swap3A] {strides = array<i32>} : memref<32768xf32, #tpu.memory_space<vmem>>, vector<16xf32>,
      tpu.vector_store %arg7[%swap3A], %gather3A {strides = array<i32>} : memref<32768xf32, #tpu.memory_space<vmem>>, vector<16xf32>,
      %add3A_25 = arith.constant 33792 : i32
      %add3A_26 = vector.broadcast %add3A_25 : i32 to vector<16xi32>
      %add3A_27 = arith.addi %get3A_16, %add3A_26 : vector<16xi32>
      %gather3A_28 = tpu.vector_load_idx %arg5[%add3A_27] : memref<65536xf32, #tpu.memory_space<vmem>>[vector<16xi32>], vector<16xf32>,
      %mul3A_29 = arith.constant 16 : i32
      %mul3A_30 = arith.muli %scan3A_13, %mul3A_29 : i32
      %add3A_31 = arith.constant 1024 : i32
      %add3A_32 = arith.addi %add3A_31, %mul3A_30 : i32
      %swap3A_33 = arith.index_cast %add3A_32 : i32 to index
      %swap3A_34 = tpu.vector_load %arg7[%swap3A_33] {strides = array<i32>} : memref<32768xf32, #tpu.memory_space<vmem>>, vector<16xf32>,
      tpu.vector_store %arg7[%swap3A_33], %gather3A_28 {strides = array<i32>} : memref<32768xf32, #tpu.memory_space<vmem>>, vector<16xf32>,
      %add3A_35 = arith.constant 34816 : i32
      %add3A_36 = vector.broadcast %add3A_35 : i32 to vector<16xi32>
      %add3A_37 = arith.addi %get3A_16, %add3A_36 : vector<16xi32>
      %gather3A_38 = tpu.vector_load_idx %arg5[%add3A_37] : memref<65536xf32, #tpu.memory_space<vmem>>[vector<16xi32>], vector<16xf32>,
      %mul3A_39 = arith.constant 16 : i32
      %mul3A_40 = arith.muli %scan3A_13, %mul3A_39 : i32
      %add3A_41 = arith.constant 2048 : i32
      %add3A_42 = arith.addi %add3A_41, %mul3A_40 : i32
      %swap3A_43 = arith.index_cast %add3A_42 : i32 to index
      %swap3A_44 = tpu.vector_load %arg7[%swap3A_43] {strides = array<i32>} : memref<32768xf32, #tpu.memory_space<vmem>>, vector<16xf32>,
      tpu.vector_store %arg7[%swap3A_43], %gather3A_38 {strides = array<i32>} : memref<32768xf32, #tpu.memory_space<vmem>>, vector<16xf32>,
      %add3A_45 = arith.constant 35840 : i32
      %add3A_46 = vector.broadcast %add3A_45 : i32 to vector<16xi32>
      %add3A_47 = arith.addi %get3A_16, %add3A_46 : vector<16xi32>
      %gather3A_48 = tpu.vector_load_idx %arg5[%add3A_47] : memref<65536xf32, #tpu.memory_space<vmem>>[vector<16xi32>], vector<16xf32>,
      %mul3A_49 = arith.constant 16 : i32
      %mul3A_50 = arith.muli %scan3A_13, %mul3A_49 : i32
      %add3A_51 = arith.constant 3072 : i32
      %add3A_52 = arith.addi %add3A_51, %mul3A_50 : i32
      %swap3A_53 = arith.index_cast %add3A_52 : i32 to index
      %swap3A_54 = tpu.vector_load %arg7[%swap3A_53] {strides = array<i32>} : memref<32768xf32, #tpu.memory_space<vmem>>, vector<16xf32>,
      tpu.vector_store %arg7[%swap3A_53], %gather3A_48 {strides = array<i32>} : memref<32768xf32, #tpu.memory_space<vmem>>, vector<16xf32>,
      %add3A_55 = arith.constant 36864 : i32
      %add3A_56 = vector.broadcast %add3A_55 : i32 to vector<16xi32>
      %add3A_57 = arith.addi %get3A_16, %add3A_56 : vector<16xi32>
      %gather3A_58 = tpu.vector_load_idx %arg5[%add3A_57] : memref<65536xf32, #tpu.memory_space<vmem>>[vector<16xi32>], vector<16xf32>,
      %mul3A_59 = arith.constant 16 : i32
      %mul3A_60 = arith.muli %scan3A_13, %mul3A_59 : i32
      %add3A_61 = arith.constant 4096 : i32
      %add3A_62 = arith.addi %add3A_61, %mul3A_60 : i32
      %swap3A_63 = arith.index_cast %add3A_62 : i32 to index
      %swap3A_64 = tpu.vector_load %arg7[%swap3A_63] {strides = array<i32>} : memref<32768xf32, #tpu.memory_space<vmem>>, vector<16xf32>,
      tpu.vector_store %arg7[%swap3A_63], %gather3A_58 {strides = array<i32>} : memref<32768xf32, #tpu.memory_space<vmem>>, vector<16xf32>,
      %add3A_65 = arith.constant 37888 : i32
      %add3A_66 = vector.broadcast %add3A_65 : i32 to vector<16xi32>
      %add3A_67 = arith.addi %get3A_16, %add3A_66 : vector<16xi32>
      %gather3A_68 = tpu.vector_load_idx %arg5[%add3A_67] : memref<65536xf32, #tpu.memory_space<vmem>>[vector<16xi32>], vector<16xf32>,
      %mul3A_69 = arith.constant 16 : i32
      %mul3A_70 = arith.muli %scan3A_13, %mul3A_69 : i32
      %add3A_71 = arith.constant 5120 : i32
      %add3A_72 = arith.addi %add3A_71, %mul3A_70 : i32
      %swap3A_73 = arith.index_cast %add3A_72 : i32 to index
      %swap3A_74 = tpu.vector_load %arg7[%swap3A_73] {strides = array<i32>} : memref<32768xf32, #tpu.memory_space<vmem>>, vector<16xf32>,
      tpu.vector_store %arg7[%swap3A_73], %gather3A_68 {strides = array<i32>} : memref<32768xf32, #tpu.memory_space<vmem>>, vector<16xf32>,
      %add3A_75 = arith.constant 38912 : i32
      %add3A_76 = vector.broadcast %add3A_75 : i32 to vector<16xi32>
      %add3A_77 = arith.addi %get3A_16, %add3A_76 : vector<16xi32>
      %gather3A_78 = tpu.vector_load_idx %arg5[%add3A_77] : memref<65536xf32, #tpu.memory_space<vmem>>[vector<16xi32>], vector<16xf32>,
      %mul3A_79 = arith.constant 16 : i32
      %mul3A_80 = arith.muli %scan3A_13, %mul3A_79 : i32
      %add3A_81 = arith.constant 6144 : i32
      %add3A_82 = arith.addi %add3A_81, %mul3A_80 : i32
      %swap3A_83 = arith.index_cast %add3A_82 : i32 to index
      %swap3A_84 = tpu.vector_load %arg7[%swap3A_83] {strides = array<i32>} : memref<32768xf32, #tpu.memory_space<vmem>>, vector<16xf32>,
      tpu.vector_store %arg7[%swap3A_83], %gather3A_78 {strides = array<i32>} : memref<32768xf32, #tpu.memory_space<vmem>>, vector<16xf32>,
      %add3A_85 = arith.constant 39936 : i32
      %add3A_86 = vector.broadcast %add3A_85 : i32 to vector<16xi32>
      %add3A_87 = arith.addi %get3A_16, %add3A_86 : vector<16xi32>
      %gather3A_88 = tpu.vector_load_idx %arg5[%add3A_87] : memref<65536xf32, #tpu.memory_space<vmem>>[vector<16xi32>], vector<16xf32>,
      %mul3A_89 = arith.constant 16 : i32
      %mul3A_90 = arith.muli %scan3A_13, %mul3A_89 : i32
      %add3A_91 = arith.constant 7168 : i32
      %add3A_92 = arith.addi %add3A_91, %mul3A_90 : i32
      %swap3A_93 = arith.index_cast %add3A_92 : i32 to index
      %swap3A_94 = tpu.vector_load %arg7[%swap3A_93] {strides = array<i32>} : memref<32768xf32, #tpu.memory_space<vmem>>, vector<16xf32>,
      tpu.vector_store %arg7[%swap3A_93], %gather3A_88 {strides = array<i32>} : memref<32768xf32, #tpu.memory_space<vmem>>, vector<16xf32>,
      %add3A_95 = arith.constant 40960 : i32
      %add3A_96 = vector.broadcast %add3A_95 : i32 to vector<16xi32>
      %add3A_97 = arith.addi %get3A_16, %add3A_96 : vector<16xi32>
      %gather3A_98 = tpu.vector_load_idx %arg5[%add3A_97] : memref<65536xf32, #tpu.memory_space<vmem>>[vector<16xi32>], vector<16xf32>,
      %mul3A_99 = arith.constant 16 : i32
      %mul3A_100 = arith.muli %scan3A_13, %mul3A_99 : i32
      %add3A_101 = arith.constant 8192 : i32
      %add3A_102 = arith.addi %add3A_101, %mul3A_100 : i32
      %swap3A_103 = arith.index_cast %add3A_102 : i32 to index
      %swap3A_104 = tpu.vector_load %arg7[%swap3A_103] {strides = array<i32>} : memref<32768xf32, #tpu.memory_space<vmem>>, vector<16xf32>,
      tpu.vector_store %arg7[%swap3A_103], %gather3A_98 {strides = array<i32>} : memref<32768xf32, #tpu.memory_space<vmem>>, vector<16xf32>,
      %add3A_105 = arith.constant 41984 : i32
      %add3A_106 = vector.broadcast %add3A_105 : i32 to vector<16xi32>
      %add3A_107 = arith.addi %get3A_16, %add3A_106 : vector<16xi32>
      %gather3A_108 = tpu.vector_load_idx %arg5[%add3A_107] : memref<65536xf32, #tpu.memory_space<vmem>>[vector<16xi32>], vector<16xf32>,
      %mul3A_109 = arith.constant 16 : i32
      %mul3A_110 = arith.muli %scan3A_13, %mul3A_109 : i32
      %add3A_111 = arith.constant 9216 : i32
      %add3A_112 = arith.addi %add3A_111, %mul3A_110 : i32
      %swap3A_113 = arith.index_cast %add3A_112 : i32 to index
      %swap3A_114 = tpu.vector_load %arg7[%swap3A_113] {strides = array<i32>} : memref<32768xf32, #tpu.memory_space<vmem>>, vector<16xf32>,
      tpu.vector_store %arg7[%swap3A_113], %gather3A_108 {strides = array<i32>} : memref<32768xf32, #tpu.memory_space<vmem>>, vector<16xf32>,
      %add3A_115 = arith.constant 43008 : i32
      %add3A_116 = vector.broadcast %add3A_115 : i32 to vector<16xi32>
      %add3A_117 = arith.addi %get3A_16, %add3A_116 : vector<16xi32>
      %gather3A_118 = tpu.vector_load_idx %arg5[%add3A_117] : memref<65536xf32, #tpu.memory_space<vmem>>[vector<16xi32>], vector<16xf32>,
      %mul3A_119 = arith.constant 16 : i32
      %mul3A_120 = arith.muli %scan3A_13, %mul3A_119 : i32
      %add3A_121 = arith.constant 10240 : i32
      %add3A_122 = arith.addi %add3A_121, %mul3A_120 : i32
      %swap3A_123 = arith.index_cast %add3A_122 : i32 to index
      %swap3A_124 = tpu.vector_load %arg7[%swap3A_123] {strides = array<i32>} : memref<32768xf32, #tpu.memory_space<vmem>>, vector<16xf32>,
      tpu.vector_store %arg7[%swap3A_123], %gather3A_118 {strides = array<i32>} : memref<32768xf32, #tpu.memory_space<vmem>>, vector<16xf32>,
      %add3A_125 = arith.constant 44032 : i32
      %add3A_126 = vector.broadcast %add3A_125 : i32 to vector<16xi32>
      %add3A_127 = arith.addi %get3A_16, %add3A_126 : vector<16xi32>
      %gather3A_128 = tpu.vector_load_idx %arg5[%add3A_127] : memref<65536xf32, #tpu.memory_space<vmem>>[vector<16xi32>], vector<16xf32>,
      %mul3A_129 = arith.constant 16 : i32
      %mul3A_130 = arith.muli %scan3A_13, %mul3A_129 : i32
      %add3A_131 = arith.constant 11264 : i32
      %add3A_132 = arith.addi %add3A_131, %mul3A_130 : i32
      %swap3A_133 = arith.index_cast %add3A_132 : i32 to index
      %swap3A_134 = tpu.vector_load %arg7[%swap3A_133] {strides = array<i32>} : memref<32768xf32, #tpu.memory_space<vmem>>, vector<16xf32>,
      tpu.vector_store %arg7[%swap3A_133], %gather3A_128 {strides = array<i32>} : memref<32768xf32, #tpu.memory_space<vmem>>, vector<16xf32>,
      %add3A_135 = arith.constant 45056 : i32
      %add3A_136 = vector.broadcast %add3A_135 : i32 to vector<16xi32>
      %add3A_137 = arith.addi %get3A_16, %add3A_136 : vector<16xi32>
      %gather3A_138 = tpu.vector_load_idx %arg5[%add3A_137] : memref<65536xf32, #tpu.memory_space<vmem>>[vector<16xi32>], vector<16xf32>,
      %mul3A_139 = arith.constant 16 : i32
      %mul3A_140 = arith.muli %scan3A_13, %mul3A_139 : i32
      %add3A_141 = arith.constant 12288 : i32
      %add3A_142 = arith.addi %add3A_141, %mul3A_140 : i32
      %swap3A_143 = arith.index_cast %add3A_142 : i32 to index
      %swap3A_144 = tpu.vector_load %arg7[%swap3A_143] {strides = array<i32>} : memref<32768xf32, #tpu.memory_space<vmem>>, vector<16xf32>,
      tpu.vector_store %arg7[%swap3A_143], %gather3A_138 {strides = array<i32>} : memref<32768xf32, #tpu.memory_space<vmem>>, vector<16xf32>,
      %add3A_145 = arith.constant 46080 : i32
      %add3A_146 = vector.broadcast %add3A_145 : i32 to vector<16xi32>
      %add3A_147 = arith.addi %get3A_16, %add3A_146 : vector<16xi32>
      %gather3A_148 = tpu.vector_load_idx %arg5[%add3A_147] : memref<65536xf32, #tpu.memory_space<vmem>>[vector<16xi32>], vector<16xf32>,
      %mul3A_149 = arith.constant 16 : i32
      %mul3A_150 = arith.muli %scan3A_13, %mul3A_149 : i32
      %add3A_151 = arith.constant 13312 : i32
      %add3A_152 = arith.addi %add3A_151, %mul3A_150 : i32
      %swap3A_153 = arith.index_cast %add3A_152 : i32 to index
      %swap3A_154 = tpu.vector_load %arg7[%swap3A_153] {strides = array<i32>} : memref<32768xf32, #tpu.memory_space<vmem>>, vector<16xf32>,
      tpu.vector_store %arg7[%swap3A_153], %gather3A_148 {strides = array<i32>} : memref<32768xf32, #tpu.memory_space<vmem>>, vector<16xf32>,
      %add3A_155 = arith.constant 47104 : i32
      %add3A_156 = vector.broadcast %add3A_155 : i32 to vector<16xi32>
      %add3A_157 = arith.addi %get3A_16, %add3A_156 : vector<16xi32>
      %gather3A_158 = tpu.vector_load_idx %arg5[%add3A_157] : memref<65536xf32, #tpu.memory_space<vmem>>[vector<16xi32>], vector<16xf32>,
      %mul3A_159 = arith.constant 16 : i32
      %mul3A_160 = arith.muli %scan3A_13, %mul3A_159 : i32
      %add3A_161 = arith.constant 14336 : i32
      %add3A_162 = arith.addi %add3A_161, %mul3A_160 : i32
      %swap3A_163 = arith.index_cast %add3A_162 : i32 to index
      %swap3A_164 = tpu.vector_load %arg7[%swap3A_163] {strides = array<i32>} : memref<32768xf32, #tpu.memory_space<vmem>>, vector<16xf32>,
      tpu.vector_store %arg7[%swap3A_163], %gather3A_158 {strides = array<i32>} : memref<32768xf32, #tpu.memory_space<vmem>>, vector<16xf32>,
      %add3A_165 = arith.constant 48128 : i32
      %add3A_166 = vector.broadcast %add3A_165 : i32 to vector<16xi32>
      %add3A_167 = arith.addi %get3A_16, %add3A_166 : vector<16xi32>
      %gather3A_168 = tpu.vector_load_idx %arg5[%add3A_167] : memref<65536xf32, #tpu.memory_space<vmem>>[vector<16xi32>], vector<16xf32>,
      %mul3A_169 = arith.constant 16 : i32
      %mul3A_170 = arith.muli %scan3A_13, %mul3A_169 : i32
      %add3A_171 = arith.constant 15360 : i32
      %add3A_172 = arith.addi %add3A_171, %mul3A_170 : i32
      %swap3A_173 = arith.index_cast %add3A_172 : i32 to index
      %swap3A_174 = tpu.vector_load %arg7[%swap3A_173] {strides = array<i32>} : memref<32768xf32, #tpu.memory_space<vmem>>, vector<16xf32>,
      tpu.vector_store %arg7[%swap3A_173], %gather3A_168 {strides = array<i32>} : memref<32768xf32, #tpu.memory_space<vmem>>, vector<16xf32>,
      %add3A_175 = arith.constant 49152 : i32
      %add3A_176 = vector.broadcast %add3A_175 : i32 to vector<16xi32>
      %add3A_177 = arith.addi %get3A_16, %add3A_176 : vector<16xi32>
      %gather3A_178 = tpu.vector_load_idx %arg5[%add3A_177] : memref<65536xf32, #tpu.memory_space<vmem>>[vector<16xi32>], vector<16xf32>,
      %mul3A_179 = arith.constant 16 : i32
      %mul3A_180 = arith.muli %scan3A_13, %mul3A_179 : i32
      %add3A_181 = arith.constant 16384 : i32
      %add3A_182 = arith.addi %add3A_181, %mul3A_180 : i32
      %swap3A_183 = arith.index_cast %add3A_182 : i32 to index
      %swap3A_184 = tpu.vector_load %arg7[%swap3A_183] {strides = array<i32>} : memref<32768xf32, #tpu.memory_space<vmem>>, vector<16xf32>,
      tpu.vector_store %arg7[%swap3A_183], %gather3A_178 {strides = array<i32>} : memref<32768xf32, #tpu.memory_space<vmem>>, vector<16xf32>,
      %add3A_185 = arith.constant 50176 : i32
      %add3A_186 = vector.broadcast %add3A_185 : i32 to vector<16xi32>
      %add3A_187 = arith.addi %get3A_16, %add3A_186 : vector<16xi32>
      %gather3A_188 = tpu.vector_load_idx %arg5[%add3A_187] : memref<65536xf32, #tpu.memory_space<vmem>>[vector<16xi32>], vector<16xf32>,
      %mul3A_189 = arith.constant 16 : i32
      %mul3A_190 = arith.muli %scan3A_13, %mul3A_189 : i32
      %add3A_191 = arith.constant 17408 : i32
      %add3A_192 = arith.addi %add3A_191, %mul3A_190 : i32
      %swap3A_193 = arith.index_cast %add3A_192 : i32 to index
      %swap3A_194 = tpu.vector_load %arg7[%swap3A_193] {strides = array<i32>} : memref<32768xf32, #tpu.memory_space<vmem>>, vector<16xf32>,
      tpu.vector_store %arg7[%swap3A_193], %gather3A_188 {strides = array<i32>} : memref<32768xf32, #tpu.memory_space<vmem>>, vector<16xf32>,
      %add3A_195 = arith.constant 51200 : i32
      %add3A_196 = vector.broadcast %add3A_195 : i32 to vector<16xi32>
      %add3A_197 = arith.addi %get3A_16, %add3A_196 : vector<16xi32>
      %gather3A_198 = tpu.vector_load_idx %arg5[%add3A_197] : memref<65536xf32, #tpu.memory_space<vmem>>[vector<16xi32>], vector<16xf32>,
      %mul3A_199 = arith.constant 16 : i32
      %mul3A_200 = arith.muli %scan3A_13, %mul3A_199 : i32
      %add3A_201 = arith.constant 18432 : i32
      %add3A_202 = arith.addi %add3A_201, %mul3A_200 : i32
      %swap3A_203 = arith.index_cast %add3A_202 : i32 to index
      %swap3A_204 = tpu.vector_load %arg7[%swap3A_203] {strides = array<i32>} : memref<32768xf32, #tpu.memory_space<vmem>>, vector<16xf32>,
      tpu.vector_store %arg7[%swap3A_203], %gather3A_198 {strides = array<i32>} : memref<32768xf32, #tpu.memory_space<vmem>>, vector<16xf32>,
      %add3A_205 = arith.constant 52224 : i32
      %add3A_206 = vector.broadcast %add3A_205 : i32 to vector<16xi32>
      %add3A_207 = arith.addi %get3A_16, %add3A_206 : vector<16xi32>
      %gather3A_208 = tpu.vector_load_idx %arg5[%add3A_207] : memref<65536xf32, #tpu.memory_space<vmem>>[vector<16xi32>], vector<16xf32>,
      %mul3A_209 = arith.constant 16 : i32
      %mul3A_210 = arith.muli %scan3A_13, %mul3A_209 : i32
      %add3A_211 = arith.constant 19456 : i32
      %add3A_212 = arith.addi %add3A_211, %mul3A_210 : i32
      %swap3A_213 = arith.index_cast %add3A_212 : i32 to index
      %swap3A_214 = tpu.vector_load %arg7[%swap3A_213] {strides = array<i32>} : memref<32768xf32, #tpu.memory_space<vmem>>, vector<16xf32>,
      tpu.vector_store %arg7[%swap3A_213], %gather3A_208 {strides = array<i32>} : memref<32768xf32, #tpu.memory_space<vmem>>, vector<16xf32>,
      %add3A_215 = arith.constant 53248 : i32
      %add3A_216 = vector.broadcast %add3A_215 : i32 to vector<16xi32>
      %add3A_217 = arith.addi %get3A_16, %add3A_216 : vector<16xi32>
      %gather3A_218 = tpu.vector_load_idx %arg5[%add3A_217] : memref<65536xf32, #tpu.memory_space<vmem>>[vector<16xi32>], vector<16xf32>,
      %mul3A_219 = arith.constant 16 : i32
      %mul3A_220 = arith.muli %scan3A_13, %mul3A_219 : i32
      %add3A_221 = arith.constant 20480 : i32
      %add3A_222 = arith.addi %add3A_221, %mul3A_220 : i32
      %swap3A_223 = arith.index_cast %add3A_222 : i32 to index
      %swap3A_224 = tpu.vector_load %arg7[%swap3A_223] {strides = array<i32>} : memref<32768xf32, #tpu.memory_space<vmem>>, vector<16xf32>,
      tpu.vector_store %arg7[%swap3A_223], %gather3A_218 {strides = array<i32>} : memref<32768xf32, #tpu.memory_space<vmem>>, vector<16xf32>,
      %add3A_225 = arith.constant 54272 : i32
      %add3A_226 = vector.broadcast %add3A_225 : i32 to vector<16xi32>
      %add3A_227 = arith.addi %get3A_16, %add3A_226 : vector<16xi32>
      %gather3A_228 = tpu.vector_load_idx %arg5[%add3A_227] : memref<65536xf32, #tpu.memory_space<vmem>>[vector<16xi32>], vector<16xf32>,
      %mul3A_229 = arith.constant 16 : i32
      %mul3A_230 = arith.muli %scan3A_13, %mul3A_229 : i32
      %add3A_231 = arith.constant 21504 : i32
      %add3A_232 = arith.addi %add3A_231, %mul3A_230 : i32
      %swap3A_233 = arith.index_cast %add3A_232 : i32 to index
      %swap3A_234 = tpu.vector_load %arg7[%swap3A_233] {strides = array<i32>} : memref<32768xf32, #tpu.memory_space<vmem>>, vector<16xf32>,
      tpu.vector_store %arg7[%swap3A_233], %gather3A_228 {strides = array<i32>} : memref<32768xf32, #tpu.memory_space<vmem>>, vector<16xf32>,
      %add3A_235 = arith.constant 55296 : i32
      %add3A_236 = vector.broadcast %add3A_235 : i32 to vector<16xi32>
      %add3A_237 = arith.addi %get3A_16, %add3A_236 : vector<16xi32>
      %gather3A_238 = tpu.vector_load_idx %arg5[%add3A_237] : memref<65536xf32, #tpu.memory_space<vmem>>[vector<16xi32>], vector<16xf32>,
      %mul3A_239 = arith.constant 16 : i32
      %mul3A_240 = arith.muli %scan3A_13, %mul3A_239 : i32
      %add3A_241 = arith.constant 22528 : i32
      %add3A_242 = arith.addi %add3A_241, %mul3A_240 : i32
      %swap3A_243 = arith.index_cast %add3A_242 : i32 to index
      %swap3A_244 = tpu.vector_load %arg7[%swap3A_243] {strides = array<i32>} : memref<32768xf32, #tpu.memory_space<vmem>>, vector<16xf32>,
      tpu.vector_store %arg7[%swap3A_243], %gather3A_238 {strides = array<i32>} : memref<32768xf32, #tpu.memory_space<vmem>>, vector<16xf32>,
      %add3A_245 = arith.constant 56320 : i32
      %add3A_246 = vector.broadcast %add3A_245 : i32 to vector<16xi32>
      %add3A_247 = arith.addi %get3A_16, %add3A_246 : vector<16xi32>
      %gather3A_248 = tpu.vector_load_idx %arg5[%add3A_247] : memref<65536xf32, #tpu.memory_space<vmem>>[vector<16xi32>], vector<16xf32>,
      %mul3A_249 = arith.constant 16 : i32
      %mul3A_250 = arith.muli %scan3A_13, %mul3A_249 : i32
      %add3A_251 = arith.constant 23552 : i32
      %add3A_252 = arith.addi %add3A_251, %mul3A_250 : i32
      %swap3A_253 = arith.index_cast %add3A_252 : i32 to index
      %swap3A_254 = tpu.vector_load %arg7[%swap3A_253] {strides = array<i32>} : memref<32768xf32, #tpu.memory_space<vmem>>, vector<16xf32>,
      tpu.vector_store %arg7[%swap3A_253], %gather3A_248 {strides = array<i32>} : memref<32768xf32, #tpu.memory_space<vmem>>, vector<16xf32>,
      %add3A_255 = arith.constant 57344 : i32
      %add3A_256 = vector.broadcast %add3A_255 : i32 to vector<16xi32>
      %add3A_257 = arith.addi %get3A_16, %add3A_256 : vector<16xi32>
      %gather3A_258 = tpu.vector_load_idx %arg5[%add3A_257] : memref<65536xf32, #tpu.memory_space<vmem>>[vector<16xi32>], vector<16xf32>,
      %mul3A_259 = arith.constant 16 : i32
      %mul3A_260 = arith.muli %scan3A_13, %mul3A_259 : i32
      %add3A_261 = arith.constant 24576 : i32
      %add3A_262 = arith.addi %add3A_261, %mul3A_260 : i32
      %swap3A_263 = arith.index_cast %add3A_262 : i32 to index
      %swap3A_264 = tpu.vector_load %arg7[%swap3A_263] {strides = array<i32>} : memref<32768xf32, #tpu.memory_space<vmem>>, vector<16xf32>,
      tpu.vector_store %arg7[%swap3A_263], %gather3A_258 {strides = array<i32>} : memref<32768xf32, #tpu.memory_space<vmem>>, vector<16xf32>,
      %add3A_265 = arith.constant 58368 : i32
      %add3A_266 = vector.broadcast %add3A_265 : i32 to vector<16xi32>
      %add3A_267 = arith.addi %get3A_16, %add3A_266 : vector<16xi32>
      %gather3A_268 = tpu.vector_load_idx %arg5[%add3A_267] : memref<65536xf32, #tpu.memory_space<vmem>>[vector<16xi32>], vector<16xf32>,
      %mul3A_269 = arith.constant 16 : i32
      %mul3A_270 = arith.muli %scan3A_13, %mul3A_269 : i32
      %add3A_271 = arith.constant 25600 : i32
      %add3A_272 = arith.addi %add3A_271, %mul3A_270 : i32
      %swap3A_273 = arith.index_cast %add3A_272 : i32 to index
      %swap3A_274 = tpu.vector_load %arg7[%swap3A_273] {strides = array<i32>} : memref<32768xf32, #tpu.memory_space<vmem>>, vector<16xf32>,
      tpu.vector_store %arg7[%swap3A_273], %gather3A_268 {strides = array<i32>} : memref<32768xf32, #tpu.memory_space<vmem>>, vector<16xf32>,
      %add3A_275 = arith.constant 59392 : i32
      %add3A_276 = vector.broadcast %add3A_275 : i32 to vector<16xi32>
      %add3A_277 = arith.addi %get3A_16, %add3A_276 : vector<16xi32>
      %gather3A_278 = tpu.vector_load_idx %arg5[%add3A_277] : memref<65536xf32, #tpu.memory_space<vmem>>[vector<16xi32>], vector<16xf32>,
      %mul3A_279 = arith.constant 16 : i32
      %mul3A_280 = arith.muli %scan3A_13, %mul3A_279 : i32
      %add3A_281 = arith.constant 26624 : i32
      %add3A_282 = arith.addi %add3A_281, %mul3A_280 : i32
      %swap3A_283 = arith.index_cast %add3A_282 : i32 to index
      %swap3A_284 = tpu.vector_load %arg7[%swap3A_283] {strides = array<i32>} : memref<32768xf32, #tpu.memory_space<vmem>>, vector<16xf32>,
      tpu.vector_store %arg7[%swap3A_283], %gather3A_278 {strides = array<i32>} : memref<32768xf32, #tpu.memory_space<vmem>>, vector<16xf32>,
      %add3A_285 = arith.constant 60416 : i32
      %add3A_286 = vector.broadcast %add3A_285 : i32 to vector<16xi32>
      %add3A_287 = arith.addi %get3A_16, %add3A_286 : vector<16xi32>
      %gather3A_288 = tpu.vector_load_idx %arg5[%add3A_287] : memref<65536xf32, #tpu.memory_space<vmem>>[vector<16xi32>], vector<16xf32>,
      %mul3A_289 = arith.constant 16 : i32
      %mul3A_290 = arith.muli %scan3A_13, %mul3A_289 : i32
      %add3A_291 = arith.constant 27648 : i32
      %add3A_292 = arith.addi %add3A_291, %mul3A_290 : i32
      %swap3A_293 = arith.index_cast %add3A_292 : i32 to index
      %swap3A_294 = tpu.vector_load %arg7[%swap3A_293] {strides = array<i32>} : memref<32768xf32, #tpu.memory_space<vmem>>, vector<16xf32>,
      tpu.vector_store %arg7[%swap3A_293], %gather3A_288 {strides = array<i32>} : memref<32768xf32, #tpu.memory_space<vmem>>, vector<16xf32>,
      %add3A_295 = arith.constant 61440 : i32
      %add3A_296 = vector.broadcast %add3A_295 : i32 to vector<16xi32>
      %add3A_297 = arith.addi %get3A_16, %add3A_296 : vector<16xi32>
      %gather3A_298 = tpu.vector_load_idx %arg5[%add3A_297] : memref<65536xf32, #tpu.memory_space<vmem>>[vector<16xi32>], vector<16xf32>,
      %mul3A_299 = arith.constant 16 : i32
      %mul3A_300 = arith.muli %scan3A_13, %mul3A_299 : i32
      %add3A_301 = arith.constant 28672 : i32
      %add3A_302 = arith.addi %add3A_301, %mul3A_300 : i32
      %swap3A_303 = arith.index_cast %add3A_302 : i32 to index
      %swap3A_304 = tpu.vector_load %arg7[%swap3A_303] {strides = array<i32>} : memref<32768xf32, #tpu.memory_space<vmem>>, vector<16xf32>,
      tpu.vector_store %arg7[%swap3A_303], %gather3A_298 {strides = array<i32>} : memref<32768xf32, #tpu.memory_space<vmem>>, vector<16xf32>,
      %add3A_305 = arith.constant 62464 : i32
      %add3A_306 = vector.broadcast %add3A_305 : i32 to vector<16xi32>
      %add3A_307 = arith.addi %get3A_16, %add3A_306 : vector<16xi32>
      %gather3A_308 = tpu.vector_load_idx %arg5[%add3A_307] : memref<65536xf32, #tpu.memory_space<vmem>>[vector<16xi32>], vector<16xf32>,
      %mul3A_309 = arith.constant 16 : i32
      %mul3A_310 = arith.muli %scan3A_13, %mul3A_309 : i32
      %add3A_311 = arith.constant 29696 : i32
      %add3A_312 = arith.addi %add3A_311, %mul3A_310 : i32
      %swap3A_313 = arith.index_cast %add3A_312 : i32 to index
      %swap3A_314 = tpu.vector_load %arg7[%swap3A_313] {strides = array<i32>} : memref<32768xf32, #tpu.memory_space<vmem>>, vector<16xf32>,
      tpu.vector_store %arg7[%swap3A_313], %gather3A_308 {strides = array<i32>} : memref<32768xf32, #tpu.memory_space<vmem>>, vector<16xf32>,
      %add3A_315 = arith.constant 63488 : i32
      %add3A_316 = vector.broadcast %add3A_315 : i32 to vector<16xi32>
      %add3A_317 = arith.addi %get3A_16, %add3A_316 : vector<16xi32>
      %gather3A_318 = tpu.vector_load_idx %arg5[%add3A_317] : memref<65536xf32, #tpu.memory_space<vmem>>[vector<16xi32>], vector<16xf32>,
      %mul3A_319 = arith.constant 16 : i32
      %mul3A_320 = arith.muli %scan3A_13, %mul3A_319 : i32
      %add3A_321 = arith.constant 30720 : i32
      %add3A_322 = arith.addi %add3A_321, %mul3A_320 : i32
      %swap3A_323 = arith.index_cast %add3A_322 : i32 to index
      %swap3A_324 = tpu.vector_load %arg7[%swap3A_323] {strides = array<i32>} : memref<32768xf32, #tpu.memory_space<vmem>>, vector<16xf32>,
      tpu.vector_store %arg7[%swap3A_323], %gather3A_318 {strides = array<i32>} : memref<32768xf32, #tpu.memory_space<vmem>>, vector<16xf32>,
      %add3A_325 = arith.constant 64512 : i32
      %add3A_326 = vector.broadcast %add3A_325 : i32 to vector<16xi32>
      %add3A_327 = arith.addi %get3A_16, %add3A_326 : vector<16xi32>
      %gather3A_328 = tpu.vector_load_idx %arg5[%add3A_327] : memref<65536xf32, #tpu.memory_space<vmem>>[vector<16xi32>], vector<16xf32>,
      %mul3A_329 = arith.constant 16 : i32
      %mul3A_330 = arith.muli %scan3A_13, %mul3A_329 : i32
      %add3A_331 = arith.constant 31744 : i32
      %add3A_332 = arith.addi %add3A_331, %mul3A_330 : i32
      %swap3A_333 = arith.index_cast %add3A_332 : i32 to index
      %swap3A_334 = tpu.vector_load %arg7[%swap3A_333] {strides = array<i32>} : memref<32768xf32, #tpu.memory_space<vmem>>, vector<16xf32>,
      tpu.vector_store %arg7[%swap3A_333], %gather3A_328 {strides = array<i32>} : memref<32768xf32, #tpu.memory_space<vmem>>, vector<16xf32>,
    }
    %scan3A_11 = arith.constant 64 : i32
    %run_scoped3A_12 = arith.constant 1 : i32
    "tpu.region"() ({
      %run_scoped3A_13 = tpu.sem_alloc : memref<!tpu.dma_semaphore, #tpu.memory_space<semaphore_mem>>
      %dma_start3A = arith.constant 0 : i32
      %dma_start3A_14 = tpu.memref_slice %arg4[%add3A, %run_scoped3A_12, %dma_start3A] : memref<32x2x32768xf32, #tpu.memory_space<hbm>> -> memref<1x1x32768xf32, #tpu.memory_space<hbm>>
      %dma_start3A_15 = tpu.memref_squeeze %dma_start3A_14 : memref<1x1x32768xf32, #tpu.memory_space<hbm>> -> memref<32768xf32, #tpu.memory_space<hbm>>
      %dma_start3A_16 = arith.constant 0 : i32
      %dma_start3A_17 = tpu.memref_slice %arg4[%add3A, %run_scoped3A_12, %dma_start3A_16] : memref<32x2x32768xf32, #tpu.memory_space<hbm>> -> memref<1x1x32768xf32, #tpu.memory_space<hbm>>
      %dma_start3A_18 = tpu.memref_squeeze %dma_start3A_17 : memref<1x1x32768xf32, #tpu.memory_space<hbm>> -> memref<32768xf32, #tpu.memory_space<hbm>>
      tpu.enqueue_dma source(%arg7 : memref<32768xf32, #tpu.memory_space<vmem>>) target(%dma_start3A_18 : memref<32768xf32, #tpu.memory_space<hbm>>) target_semaphore(%run_scoped3A_13 : memref<!tpu.dma_semaphore, #tpu.memory_space<semaphore_mem>>)
      %dma_wait3A = arith.constant 0 : i32
      %dma_wait3A_19 = tpu.memref_slice %arg4[%add3A, %run_scoped3A_12, %dma_wait3A] : memref<32x2x32768xf32, #tpu.memory_space<hbm>> -> memref<1x1x32768xf32, #tpu.memory_space<hbm>>
      %dma_wait3A_20 = tpu.memref_squeeze %dma_wait3A_19 : memref<1x1x32768xf32, #tpu.memory_space<hbm>> -> memref<32768xf32, #tpu.memory_space<hbm>>
      %dma_wait3A_21 = arith.constant 0 : i32
      %dma_wait3A_22 = tpu.memref_slice %arg4[%add3A, %run_scoped3A_12, %dma_wait3A_21] : memref<32x2x32768xf32, #tpu.memory_space<hbm>> -> memref<1x1x32768xf32, #tpu.memory_space<hbm>>
      %dma_wait3A_23 = tpu.memref_squeeze %dma_wait3A_22 : memref<1x1x32768xf32, #tpu.memory_space<hbm>> -> memref<32768xf32, #tpu.memory_space<hbm>>
      tpu.wait_dma2 semaphore(%run_scoped3A_13 : memref<!tpu.dma_semaphore, #tpu.memory_space<semaphore_mem>>) src(%arg7 : memref<32768xf32, #tpu.memory_space<vmem>>) dst(%dma_wait3A_23 : memref<32768xf32, #tpu.memory_space<hbm>>)
      tpu.yield
    }) : () -> ()
    return
  }
}

module attributes {stable_mosaic.version = 14 : i64} {
  func.func @_dist_argmin_kernel(%arg0: i32, %arg1: memref<4x64x1024xf32, #tpu.memory_space<vmem>>, %arg2: memref<1024x64xf32, #tpu.memory_space<vmem>>, %arg3: memref<4x1x1024xi32, #tpu.memory_space<vmem>>, %arg4: memref<1x1xf32, #tpu.memory_space<vmem>>) attributes {dimension_semantics = [#tpu.dimension_semantics<arbitrary>], iteration_bounds = array<i64: 8>, scalar_prefetch = 0 : i64, scratch_operands = 0 : i64, tpu.core_type = #tpu.core_type<tc>, window_params = [{transform_indices = @transform_0, window_bounds = array<i64: 4, 64, 1024>}, {pipeline_mode = #tpu.pipeline_mode<synchronous>, transform_indices = @transform_1, window_bounds = array<i64: 1024, 64>}, {transform_indices = @transform_2, window_bounds = array<i64: 4, 1, 1024>}, {pipeline_mode = #tpu.pipeline_mode<synchronous>, transform_indices = @transform_3, window_bounds = array<i64: 1, 1>}]} {
    %get3A = arith.constant 0 : index
    %get3A_0 = arith.constant 0 : index
    %get3A_1 = vector.load %arg2[%get3A, %get3A_0] : memref<1024x64xf32, #tpu.memory_space<vmem>>, vector<1024x64xf32>
    %broadcast_in_dim3A = arith.constant 0.000000e+00 : f32
    %broadcast_in_dim3A_2 = vector.broadcast %broadcast_in_dim3A : f32 to vector<1x1xf32>
    %get3A_3 = arith.constant 0 : index
    %get3A_4 = arith.constant 0 : index
    %get3A_5 = arith.constant 0 : index
    %get3A_6 = vector.load %arg1[%get3A_3, %get3A_4, %get3A_5] : memref<4x64x1024xf32, #tpu.memory_space<vmem>>, vector<1x64x1024xf32>
    %get3A_7 = vector.shape_cast %get3A_6 : vector<1x64x1024xf32> to vector<64x1024xf32>
    %add3A = arith.addf %get3A_1, %get3A_1 : vector<1024x64xf32>
    %dot_general3A = arith.constant dense<0.000000e+00> : vector<1024x1024xf32>
    %dot_general3A_8 = tpu.matmul %add3A, %get3A_7, %dot_general3A {dimension_numbers = #tpu.dot_dimension_numbers<[1], [0], [0], [1], [0, 0, 1, 1], [], []>, transpose_lhs_hint = false} : vector<1024x64xf32>, vector<64x1024xf32>, vector<1024x1024xf32> -> vector<1024x1024xf32>
    %mul3A = arith.mulf %get3A_1, %get3A_1 : vector<1024x64xf32>
    %reduce_sum3A = arith.constant dense<0.000000e+00> : vector<1024xf32>
    %reduce_sum3A_9 = vector.multi_reduction <add>, %mul3A, %reduce_sum3A [1] : vector<1024x64xf32> to vector<1024xf32>
    %broadcast_in_dim3A_10 = vector.shape_cast %reduce_sum3A_9 : vector<1024xf32> to vector<1024x1xf32>
    %mul3A_11 = arith.mulf %get3A_7, %get3A_7 : vector<64x1024xf32>
    %reduce_sum3A_12 = arith.constant dense<0.000000e+00> : vector<1024xf32>
    %reduce_sum3A_13 = vector.multi_reduction <add>, %mul3A_11, %reduce_sum3A_12 [0] : vector<64x1024xf32> to vector<1024xf32>
    %broadcast_in_dim3A_14 = vector.shape_cast %reduce_sum3A_13 : vector<1024xf32> to vector<1x1024xf32>
    %add3A_15 = vector.broadcast %broadcast_in_dim3A_14 : vector<1x1024xf32> to vector<1024x1024xf32>
    %add3A_16 = vector.broadcast %broadcast_in_dim3A_10 : vector<1024x1xf32> to vector<1024x1024xf32>
    %add3A_17 = arith.addf %add3A_15, %add3A_16 : vector<1024x1024xf32>
    %sub3A = arith.subf %add3A_17, %dot_general3A_8 : vector<1024x1024xf32>
    %reduce_min3A = arith.constant dense<0x7F800000> : vector<1024xf32>
    %reduce_min3A_18 = vector.multi_reduction <minimumf>, %sub3A, %reduce_min3A [0] : vector<1024x1024xf32> to vector<1024xf32>
    %broadcast_in_dim3A_19 = vector.shape_cast %reduce_min3A_18 : vector<1024xf32> to vector<1x1024xf32>
    %iota3A = tpu.iota {dimensions = array<i32: 0>} : vector<1024x1024xi32>
    %convert_element_type3A = arith.sitofp %iota3A : vector<1024x1024xi32> to vector<1024x1024xf32>
    %eq3A = vector.broadcast %broadcast_in_dim3A_19 : vector<1x1024xf32> to vector<1024x1024xf32>
    %eq3A_20 = arith.cmpf oeq, %sub3A, %eq3A : vector<1024x1024xf32>
    %jit3A = arith.constant 2.048000e+03 : f32
    %broadcast_in_dim3A_21 = vector.broadcast %jit3A : f32 to vector<1024x1024xf32>
    %select_n3A = arith.select %eq3A_20, %convert_element_type3A, %broadcast_in_dim3A_21 : vector<1024x1024xi1>, vector<1024x1024xf32>
    %reduce_min3A_22 = arith.constant dense<0x7F800000> : vector<1024xf32>
    %reduce_min3A_23 = vector.multi_reduction <minimumf>, %select_n3A, %reduce_min3A_22 [0] : vector<1024x1024xf32> to vector<1024xf32>
    %convert_element_type3A_24 = arith.fptosi %reduce_min3A_23 : vector<1024xf32> to vector<1024xi32>
    %swap3A = arith.constant 0 : i32
    %swap3A_25 = arith.constant 0 : i32
    %swap3A_26 = arith.constant 0 : i32
    %swap3A_27 = tpu.memref_slice %arg3[%swap3A, %swap3A_25, %swap3A_26] : memref<4x1x1024xi32, #tpu.memory_space<vmem>> -> memref<1x1x1024xi32, #tpu.memory_space<vmem>>
    %swap3A_28 = tpu.memref_squeeze %swap3A_27 : memref<1x1x1024xi32, #tpu.memory_space<vmem>> -> memref<1x1024xi32, #tpu.memory_space<vmem>>
    %swap3A_29 = arith.constant 0 : index
    %swap3A_30 = arith.constant 0 : index
    %swap3A_31 = vector.load %swap3A_28[%swap3A_29, %swap3A_30] : memref<1x1024xi32, #tpu.memory_space<vmem>>, vector<1x1024xi32>
    %swap3A_32 = vector.shape_cast %swap3A_31 : vector<1x1024xi32> to vector<1024xi32>
    %swap3A_33 = vector.shape_cast %convert_element_type3A_24 : vector<1024xi32> to vector<1x1024xi32>
    tpu.vector_store %swap3A_28[%swap3A_29, %swap3A_30], %swap3A_33 {strides = array<i32>} : memref<1x1024xi32, #tpu.memory_space<vmem>>, vector<1x1024xi32>,
    %reduce_sum3A_34 = vector.shape_cast %broadcast_in_dim3A_19 : vector<1x1024xf32> to vector<1x1x1024xf32>
    %reduce_sum3A_35 = arith.constant dense<0.000000e+00> : vector<1xf32>
    %reduce_sum3A_36 = vector.multi_reduction <add>, %reduce_sum3A_34, %reduce_sum3A_35 [1, 2] : vector<1x1x1024xf32> to vector<1xf32>
    %reduce_sum3A_37 = vector.shape_cast %reduce_sum3A_36 : vector<1xf32> to vector<1x1x1xf32>
    %reduce_sum3A_38 = vector.extract %reduce_sum3A_37[0, 0, 0] : f32 from vector<1x1x1xf32>
    %reshape3A = vector.broadcast %reduce_sum3A_38 : f32 to vector<1x1xf32>
    %add3A_39 = arith.addf %broadcast_in_dim3A_2, %reshape3A : vector<1x1xf32>
    %get3A_40 = arith.constant 1 : index
    %get3A_41 = arith.constant 0 : index
    %get3A_42 = arith.constant 0 : index
    %get3A_43 = vector.load %arg1[%get3A_40, %get3A_41, %get3A_42] : memref<4x64x1024xf32, #tpu.memory_space<vmem>>, vector<1x64x1024xf32>
    %get3A_44 = vector.shape_cast %get3A_43 : vector<1x64x1024xf32> to vector<64x1024xf32>
    %add3A_45 = arith.addf %get3A_1, %get3A_1 : vector<1024x64xf32>
    %dot_general3A_46 = arith.constant dense<0.000000e+00> : vector<1024x1024xf32>
    %dot_general3A_47 = tpu.matmul %add3A_45, %get3A_44, %dot_general3A_46 {dimension_numbers = #tpu.dot_dimension_numbers<[1], [0], [0], [1], [0, 0, 1, 1], [], []>, transpose_lhs_hint = false} : vector<1024x64xf32>, vector<64x1024xf32>, vector<1024x1024xf32> -> vector<1024x1024xf32>
    %mul3A_48 = arith.mulf %get3A_1, %get3A_1 : vector<1024x64xf32>
    %reduce_sum3A_49 = arith.constant dense<0.000000e+00> : vector<1024xf32>
    %reduce_sum3A_50 = vector.multi_reduction <add>, %mul3A_48, %reduce_sum3A_49 [1] : vector<1024x64xf32> to vector<1024xf32>
    %broadcast_in_dim3A_51 = vector.shape_cast %reduce_sum3A_50 : vector<1024xf32> to vector<1024x1xf32>
    %mul3A_52 = arith.mulf %get3A_44, %get3A_44 : vector<64x1024xf32>
    %reduce_sum3A_53 = arith.constant dense<0.000000e+00> : vector<1024xf32>
    %reduce_sum3A_54 = vector.multi_reduction <add>, %mul3A_52, %reduce_sum3A_53 [0] : vector<64x1024xf32> to vector<1024xf32>
    %broadcast_in_dim3A_55 = vector.shape_cast %reduce_sum3A_54 : vector<1024xf32> to vector<1x1024xf32>
    %add3A_56 = vector.broadcast %broadcast_in_dim3A_55 : vector<1x1024xf32> to vector<1024x1024xf32>
    %add3A_57 = vector.broadcast %broadcast_in_dim3A_51 : vector<1024x1xf32> to vector<1024x1024xf32>
    %add3A_58 = arith.addf %add3A_56, %add3A_57 : vector<1024x1024xf32>
    %sub3A_59 = arith.subf %add3A_58, %dot_general3A_47 : vector<1024x1024xf32>
    %reduce_min3A_60 = arith.constant dense<0x7F800000> : vector<1024xf32>
    %reduce_min3A_61 = vector.multi_reduction <minimumf>, %sub3A_59, %reduce_min3A_60 [0] : vector<1024x1024xf32> to vector<1024xf32>
    %broadcast_in_dim3A_62 = vector.shape_cast %reduce_min3A_61 : vector<1024xf32> to vector<1x1024xf32>
    %iota3A_63 = tpu.iota {dimensions = array<i32: 0>} : vector<1024x1024xi32>
    %convert_element_type3A_64 = arith.sitofp %iota3A_63 : vector<1024x1024xi32> to vector<1024x1024xf32>
    %eq3A_65 = vector.broadcast %broadcast_in_dim3A_62 : vector<1x1024xf32> to vector<1024x1024xf32>
    %eq3A_66 = arith.cmpf oeq, %sub3A_59, %eq3A_65 : vector<1024x1024xf32>
    %jit3A_67 = arith.constant 2.048000e+03 : f32
    %broadcast_in_dim3A_68 = vector.broadcast %jit3A_67 : f32 to vector<1024x1024xf32>
    %select_n3A_69 = arith.select %eq3A_66, %convert_element_type3A_64, %broadcast_in_dim3A_68 : vector<1024x1024xi1>, vector<1024x1024xf32>
    %reduce_min3A_70 = arith.constant dense<0x7F800000> : vector<1024xf32>
    %reduce_min3A_71 = vector.multi_reduction <minimumf>, %select_n3A_69, %reduce_min3A_70 [0] : vector<1024x1024xf32> to vector<1024xf32>
    %convert_element_type3A_72 = arith.fptosi %reduce_min3A_71 : vector<1024xf32> to vector<1024xi32>
    %swap3A_73 = arith.constant 1 : i32
    %swap3A_74 = arith.constant 0 : i32
    %swap3A_75 = arith.constant 0 : i32
    %swap3A_76 = tpu.memref_slice %arg3[%swap3A_73, %swap3A_74, %swap3A_75] : memref<4x1x1024xi32, #tpu.memory_space<vmem>> -> memref<1x1x1024xi32, #tpu.memory_space<vmem>>
    %swap3A_77 = tpu.memref_squeeze %swap3A_76 : memref<1x1x1024xi32, #tpu.memory_space<vmem>> -> memref<1x1024xi32, #tpu.memory_space<vmem>>
    %swap3A_78 = arith.constant 0 : index
    %swap3A_79 = arith.constant 0 : index
    %swap3A_80 = vector.load %swap3A_77[%swap3A_78, %swap3A_79] : memref<1x1024xi32, #tpu.memory_space<vmem>>, vector<1x1024xi32>
    %swap3A_81 = vector.shape_cast %swap3A_80 : vector<1x1024xi32> to vector<1024xi32>
    %swap3A_82 = vector.shape_cast %convert_element_type3A_72 : vector<1024xi32> to vector<1x1024xi32>
    tpu.vector_store %swap3A_77[%swap3A_78, %swap3A_79], %swap3A_82 {strides = array<i32>} : memref<1x1024xi32, #tpu.memory_space<vmem>>, vector<1x1024xi32>,
    %reduce_sum3A_83 = vector.shape_cast %broadcast_in_dim3A_62 : vector<1x1024xf32> to vector<1x1x1024xf32>
    %reduce_sum3A_84 = arith.constant dense<0.000000e+00> : vector<1xf32>
    %reduce_sum3A_85 = vector.multi_reduction <add>, %reduce_sum3A_83, %reduce_sum3A_84 [1, 2] : vector<1x1x1024xf32> to vector<1xf32>
    %reduce_sum3A_86 = vector.shape_cast %reduce_sum3A_85 : vector<1xf32> to vector<1x1x1xf32>
    %reduce_sum3A_87 = vector.extract %reduce_sum3A_86[0, 0, 0] : f32 from vector<1x1x1xf32>
    %reshape3A_88 = vector.broadcast %reduce_sum3A_87 : f32 to vector<1x1xf32>
    %add3A_89 = arith.addf %add3A_39, %reshape3A_88 : vector<1x1xf32>
    %get3A_90 = arith.constant 2 : index
    %get3A_91 = arith.constant 0 : index
    %get3A_92 = arith.constant 0 : index
    %get3A_93 = vector.load %arg1[%get3A_90, %get3A_91, %get3A_92] : memref<4x64x1024xf32, #tpu.memory_space<vmem>>, vector<1x64x1024xf32>
    %get3A_94 = vector.shape_cast %get3A_93 : vector<1x64x1024xf32> to vector<64x1024xf32>
    %add3A_95 = arith.addf %get3A_1, %get3A_1 : vector<1024x64xf32>
    %dot_general3A_96 = arith.constant dense<0.000000e+00> : vector<1024x1024xf32>
    %dot_general3A_97 = tpu.matmul %add3A_95, %get3A_94, %dot_general3A_96 {dimension_numbers = #tpu.dot_dimension_numbers<[1], [0], [0], [1], [0, 0, 1, 1], [], []>, transpose_lhs_hint = false} : vector<1024x64xf32>, vector<64x1024xf32>, vector<1024x1024xf32> -> vector<1024x1024xf32>
    %mul3A_98 = arith.mulf %get3A_1, %get3A_1 : vector<1024x64xf32>
    %reduce_sum3A_99 = arith.constant dense<0.000000e+00> : vector<1024xf32>
    %reduce_sum3A_100 = vector.multi_reduction <add>, %mul3A_98, %reduce_sum3A_99 [1] : vector<1024x64xf32> to vector<1024xf32>
    %broadcast_in_dim3A_101 = vector.shape_cast %reduce_sum3A_100 : vector<1024xf32> to vector<1024x1xf32>
    %mul3A_102 = arith.mulf %get3A_94, %get3A_94 : vector<64x1024xf32>
    %reduce_sum3A_103 = arith.constant dense<0.000000e+00> : vector<1024xf32>
    %reduce_sum3A_104 = vector.multi_reduction <add>, %mul3A_102, %reduce_sum3A_103 [0] : vector<64x1024xf32> to vector<1024xf32>
    %broadcast_in_dim3A_105 = vector.shape_cast %reduce_sum3A_104 : vector<1024xf32> to vector<1x1024xf32>
    %add3A_106 = vector.broadcast %broadcast_in_dim3A_105 : vector<1x1024xf32> to vector<1024x1024xf32>
    %add3A_107 = vector.broadcast %broadcast_in_dim3A_101 : vector<1024x1xf32> to vector<1024x1024xf32>
    %add3A_108 = arith.addf %add3A_106, %add3A_107 : vector<1024x1024xf32>
    %sub3A_109 = arith.subf %add3A_108, %dot_general3A_97 : vector<1024x1024xf32>
    %reduce_min3A_110 = arith.constant dense<0x7F800000> : vector<1024xf32>
    %reduce_min3A_111 = vector.multi_reduction <minimumf>, %sub3A_109, %reduce_min3A_110 [0] : vector<1024x1024xf32> to vector<1024xf32>
    %broadcast_in_dim3A_112 = vector.shape_cast %reduce_min3A_111 : vector<1024xf32> to vector<1x1024xf32>
    %iota3A_113 = tpu.iota {dimensions = array<i32: 0>} : vector<1024x1024xi32>
    %convert_element_type3A_114 = arith.sitofp %iota3A_113 : vector<1024x1024xi32> to vector<1024x1024xf32>
    %eq3A_115 = vector.broadcast %broadcast_in_dim3A_112 : vector<1x1024xf32> to vector<1024x1024xf32>
    %eq3A_116 = arith.cmpf oeq, %sub3A_109, %eq3A_115 : vector<1024x1024xf32>
    %jit3A_117 = arith.constant 2.048000e+03 : f32
    %broadcast_in_dim3A_118 = vector.broadcast %jit3A_117 : f32 to vector<1024x1024xf32>
    %select_n3A_119 = arith.select %eq3A_116, %convert_element_type3A_114, %broadcast_in_dim3A_118 : vector<1024x1024xi1>, vector<1024x1024xf32>
    %reduce_min3A_120 = arith.constant dense<0x7F800000> : vector<1024xf32>
    %reduce_min3A_121 = vector.multi_reduction <minimumf>, %select_n3A_119, %reduce_min3A_120 [0] : vector<1024x1024xf32> to vector<1024xf32>
    %convert_element_type3A_122 = arith.fptosi %reduce_min3A_121 : vector<1024xf32> to vector<1024xi32>
    %swap3A_123 = arith.constant 2 : i32
    %swap3A_124 = arith.constant 0 : i32
    %swap3A_125 = arith.constant 0 : i32
    %swap3A_126 = tpu.memref_slice %arg3[%swap3A_123, %swap3A_124, %swap3A_125] : memref<4x1x1024xi32, #tpu.memory_space<vmem>> -> memref<1x1x1024xi32, #tpu.memory_space<vmem>>
    %swap3A_127 = tpu.memref_squeeze %swap3A_126 : memref<1x1x1024xi32, #tpu.memory_space<vmem>> -> memref<1x1024xi32, #tpu.memory_space<vmem>>
    %swap3A_128 = arith.constant 0 : index
    %swap3A_129 = arith.constant 0 : index
    %swap3A_130 = vector.load %swap3A_127[%swap3A_128, %swap3A_129] : memref<1x1024xi32, #tpu.memory_space<vmem>>, vector<1x1024xi32>
    %swap3A_131 = vector.shape_cast %swap3A_130 : vector<1x1024xi32> to vector<1024xi32>
    %swap3A_132 = vector.shape_cast %convert_element_type3A_122 : vector<1024xi32> to vector<1x1024xi32>
    tpu.vector_store %swap3A_127[%swap3A_128, %swap3A_129], %swap3A_132 {strides = array<i32>} : memref<1x1024xi32, #tpu.memory_space<vmem>>, vector<1x1024xi32>,
    %reduce_sum3A_133 = vector.shape_cast %broadcast_in_dim3A_112 : vector<1x1024xf32> to vector<1x1x1024xf32>
    %reduce_sum3A_134 = arith.constant dense<0.000000e+00> : vector<1xf32>
    %reduce_sum3A_135 = vector.multi_reduction <add>, %reduce_sum3A_133, %reduce_sum3A_134 [1, 2] : vector<1x1x1024xf32> to vector<1xf32>
    %reduce_sum3A_136 = vector.shape_cast %reduce_sum3A_135 : vector<1xf32> to vector<1x1x1xf32>
    %reduce_sum3A_137 = vector.extract %reduce_sum3A_136[0, 0, 0] : f32 from vector<1x1x1xf32>
    %reshape3A_138 = vector.broadcast %reduce_sum3A_137 : f32 to vector<1x1xf32>
    %add3A_139 = arith.addf %add3A_89, %reshape3A_138 : vector<1x1xf32>
    %get3A_140 = arith.constant 3 : index
    %get3A_141 = arith.constant 0 : index
    %get3A_142 = arith.constant 0 : index
    %get3A_143 = vector.load %arg1[%get3A_140, %get3A_141, %get3A_142] : memref<4x64x1024xf32, #tpu.memory_space<vmem>>, vector<1x64x1024xf32>
    %get3A_144 = vector.shape_cast %get3A_143 : vector<1x64x1024xf32> to vector<64x1024xf32>
    %add3A_145 = arith.addf %get3A_1, %get3A_1 : vector<1024x64xf32>
    %dot_general3A_146 = arith.constant dense<0.000000e+00> : vector<1024x1024xf32>
    %dot_general3A_147 = tpu.matmul %add3A_145, %get3A_144, %dot_general3A_146 {dimension_numbers = #tpu.dot_dimension_numbers<[1], [0], [0], [1], [0, 0, 1, 1], [], []>, transpose_lhs_hint = false} : vector<1024x64xf32>, vector<64x1024xf32>, vector<1024x1024xf32> -> vector<1024x1024xf32>
    %mul3A_148 = arith.mulf %get3A_1, %get3A_1 : vector<1024x64xf32>
    %reduce_sum3A_149 = arith.constant dense<0.000000e+00> : vector<1024xf32>
    %reduce_sum3A_150 = vector.multi_reduction <add>, %mul3A_148, %reduce_sum3A_149 [1] : vector<1024x64xf32> to vector<1024xf32>
    %broadcast_in_dim3A_151 = vector.shape_cast %reduce_sum3A_150 : vector<1024xf32> to vector<1024x1xf32>
    %mul3A_152 = arith.mulf %get3A_144, %get3A_144 : vector<64x1024xf32>
    %reduce_sum3A_153 = arith.constant dense<0.000000e+00> : vector<1024xf32>
    %reduce_sum3A_154 = vector.multi_reduction <add>, %mul3A_152, %reduce_sum3A_153 [0] : vector<64x1024xf32> to vector<1024xf32>
    %broadcast_in_dim3A_155 = vector.shape_cast %reduce_sum3A_154 : vector<1024xf32> to vector<1x1024xf32>
    %add3A_156 = vector.broadcast %broadcast_in_dim3A_155 : vector<1x1024xf32> to vector<1024x1024xf32>
    %add3A_157 = vector.broadcast %broadcast_in_dim3A_151 : vector<1024x1xf32> to vector<1024x1024xf32>
    %add3A_158 = arith.addf %add3A_156, %add3A_157 : vector<1024x1024xf32>
    %sub3A_159 = arith.subf %add3A_158, %dot_general3A_147 : vector<1024x1024xf32>
    %reduce_min3A_160 = arith.constant dense<0x7F800000> : vector<1024xf32>
    %reduce_min3A_161 = vector.multi_reduction <minimumf>, %sub3A_159, %reduce_min3A_160 [0] : vector<1024x1024xf32> to vector<1024xf32>
    %broadcast_in_dim3A_162 = vector.shape_cast %reduce_min3A_161 : vector<1024xf32> to vector<1x1024xf32>
    %iota3A_163 = tpu.iota {dimensions = array<i32: 0>} : vector<1024x1024xi32>
    %convert_element_type3A_164 = arith.sitofp %iota3A_163 : vector<1024x1024xi32> to vector<1024x1024xf32>
    %eq3A_165 = vector.broadcast %broadcast_in_dim3A_162 : vector<1x1024xf32> to vector<1024x1024xf32>
    %eq3A_166 = arith.cmpf oeq, %sub3A_159, %eq3A_165 : vector<1024x1024xf32>
    %jit3A_167 = arith.constant 2.048000e+03 : f32
    %broadcast_in_dim3A_168 = vector.broadcast %jit3A_167 : f32 to vector<1024x1024xf32>
    %select_n3A_169 = arith.select %eq3A_166, %convert_element_type3A_164, %broadcast_in_dim3A_168 : vector<1024x1024xi1>, vector<1024x1024xf32>
    %reduce_min3A_170 = arith.constant dense<0x7F800000> : vector<1024xf32>
    %reduce_min3A_171 = vector.multi_reduction <minimumf>, %select_n3A_169, %reduce_min3A_170 [0] : vector<1024x1024xf32> to vector<1024xf32>
    %convert_element_type3A_172 = arith.fptosi %reduce_min3A_171 : vector<1024xf32> to vector<1024xi32>
    %swap3A_173 = arith.constant 3 : i32
    %swap3A_174 = arith.constant 0 : i32
    %swap3A_175 = arith.constant 0 : i32
    %swap3A_176 = tpu.memref_slice %arg3[%swap3A_173, %swap3A_174, %swap3A_175] : memref<4x1x1024xi32, #tpu.memory_space<vmem>> -> memref<1x1x1024xi32, #tpu.memory_space<vmem>>
    %swap3A_177 = tpu.memref_squeeze %swap3A_176 : memref<1x1x1024xi32, #tpu.memory_space<vmem>> -> memref<1x1024xi32, #tpu.memory_space<vmem>>
    %swap3A_178 = arith.constant 0 : index
    %swap3A_179 = arith.constant 0 : index
    %swap3A_180 = vector.load %swap3A_177[%swap3A_178, %swap3A_179] : memref<1x1024xi32, #tpu.memory_space<vmem>>, vector<1x1024xi32>
    %swap3A_181 = vector.shape_cast %swap3A_180 : vector<1x1024xi32> to vector<1024xi32>
    %swap3A_182 = vector.shape_cast %convert_element_type3A_172 : vector<1024xi32> to vector<1x1024xi32>
    tpu.vector_store %swap3A_177[%swap3A_178, %swap3A_179], %swap3A_182 {strides = array<i32>} : memref<1x1024xi32, #tpu.memory_space<vmem>>, vector<1x1024xi32>,
    %reduce_sum3A_183 = vector.shape_cast %broadcast_in_dim3A_162 : vector<1x1024xf32> to vector<1x1x1024xf32>
    %reduce_sum3A_184 = arith.constant dense<0.000000e+00> : vector<1xf32>
    %reduce_sum3A_185 = vector.multi_reduction <add>, %reduce_sum3A_183, %reduce_sum3A_184 [1, 2] : vector<1x1x1024xf32> to vector<1xf32>
    %reduce_sum3A_186 = vector.shape_cast %reduce_sum3A_185 : vector<1xf32> to vector<1x1x1xf32>
    %reduce_sum3A_187 = vector.extract %reduce_sum3A_186[0, 0, 0] : f32 from vector<1x1x1xf32>
    %reshape3A_188 = vector.broadcast %reduce_sum3A_187 : f32 to vector<1x1xf32>
    %add3A_189 = arith.addf %add3A_139, %reshape3A_188 : vector<1x1xf32>
    %eq3A_190 = arith.constant 0 : i32
    %eq3A_191 = arith.cmpi eq, %arg0, %eq3A_190 : i32
    %get3A_192 = arith.constant 0 : index
    %get3A_193 = arith.constant 0 : index
    %get3A_194 = vector.load %arg4[%get3A_192, %get3A_193] : memref<1x1xf32, #tpu.memory_space<vmem>>, vector<1x1xf32>
    %add3A_195 = arith.addf %get3A_194, %add3A_189 : vector<1x1xf32>
    %select_n3A_196 = arith.select %eq3A_191, %add3A_189, %add3A_195 : vector<1x1xf32>
    %eq3A_197 = arith.constant 7 : i32
    %eq3A_198 = arith.cmpi eq, %arg0, %eq3A_197 : i32
    %mul3A_199 = arith.constant 5.96046448E-7 : f32
    %mul3A_200 = vector.broadcast %mul3A_199 : f32 to vector<1x1xf32>
    %mul3A_201 = arith.mulf %select_n3A_196, %mul3A_200 : vector<1x1xf32>
    %select_n3A_202 = arith.select %eq3A_198, %mul3A_201, %select_n3A_196 : vector<1x1xf32>
    %swap3A_203 = arith.constant 0 : index
    %swap3A_204 = arith.constant 0 : index
    %swap3A_205 = vector.load %arg4[%swap3A_203, %swap3A_204] : memref<1x1xf32, #tpu.memory_space<vmem>>, vector<1x1xf32>
    tpu.vector_store %arg4[%swap3A_203, %swap3A_204], %select_n3A_202 {strides = array<i32>} : memref<1x1xf32, #tpu.memory_space<vmem>>, vector<1x1xf32>,
    return
  }
  func.func @transform_0(%arg0: i32) -> (i32, i32, i32) {
    %c0_i32 = arith.constant 0 : i32
    %c0_i32_0 = arith.constant 0 : i32
    %c0_i32_1 = arith.constant 0 : i32
    return %arg0, %c0_i32, %c0_i32_0 : i32, i32, i32
  }
  func.func @transform_1(%arg0: i32) -> (i32, i32) {
    %c0_i32 = arith.constant 0 : i32
    %c0_i32_0 = arith.constant 0 : i32
    %c0_i32_1 = arith.constant 0 : i32
    return %c0_i32, %c0_i32_0 : i32, i32
  }
  func.func @transform_2(%arg0: i32) -> (i32, i32, i32) {
    %c0_i32 = arith.constant 0 : i32
    %c0_i32_0 = arith.constant 0 : i32
    %c0_i32_1 = arith.constant 0 : i32
    return %arg0, %c0_i32, %c0_i32_0 : i32, i32, i32
  }
  func.func @transform_3(%arg0: i32) -> (i32, i32) {
    %c0_i32 = arith.constant 0 : i32
    %c0_i32_0 = arith.constant 0 : i32
    %c0_i32_1 = arith.constant 0 : i32
    return %c0_i32, %c0_i32_0 : i32, i32
  }
}

</mosaic_0001>

<sc_bundles>
// kernel: kernel.4.cloned.1.call-start
scs
__scs_entry_jumppad:
0x0: {  	(pc) =	sbr.rel $0x88, $3  }
0x1: {  	(tag) =	ssettag $0x0;
	lr =	simm.s32 $0x1  }
0x2: {  	[smem:$0x3F9F] =	sst lr;
	_ =	strace $0xD0000000  }
0x3: {  	_ = 	snop  }
0x4: {  	_ = 	snop  }
0x5: {  	_ = 	snop  }
0x6: {  	_ = 	snop  }
0x7: {  	_ = 	snop  }
__scs_overlays_trampoline_lowered:
0x8: {  	[smem:$0x3FAE] =	sst s0  }
0x9: {  	[smem:$0x3FAF] =	sst s1  }
0xa: {  	[smem:$0x3FB0] =	sst s2  }
0xb: {  	[smem:$0x3FB1] =	sst s3  }
0xc: {  	[smem:$0x3FB2] =	sst s4  }
0xd: {  	[smem:$0x3FB3] =	sst s5  }
0xe: {  	[smem:$0x3FB4] =	sst s6  }
0xf: {  	[smem:$0x3FB5] =	sst s7  }
0x10: {  	[smem:$0x3FB6] =	sst s8  }
0x11: {  	[smem:$0x3FB7] =	sst s9;
	s0 =	simm.s32 @!p0 $0x0  }
0x12: {  	s1 =	sld [smem:$0x3F9D];
	s0 =	simm.s32 @p0 $0x1  }
0x13: {  	[smem:$0x3FB8] =	sst s0;
	s0 =	simm.s32 @!p1 $0x0  }
0x14: {  	s2 =	sld [smem:$0x3F9C];
	s0 =	simm.s32 @p1 $0x1  }
0x15: {  	[smem:$0x3FB9] =	sst s0;
	s0 =	simm.s32 @!p2 $0x0  }
0x16: {  	s3 =	sld [smem:$0x3FDB];
	s0 =	simm.s32 @p2 $0x1  }
0x17: {  	s4 =	simm.s32 $0x1BF5;
	[smem:$0x3FBB] =	sst s0  }
0x18: {  	s0 =	sld [smem:$0x3F9E];
	_ =	swait.ge [sflag:s4], $0x0  }
0x19: {  	s7 =	sld [smem:$0x3F9F]  }
0x1a: {  	s8 =	sadd.s32 $0xFFFFE003, lr  }
0x1b: {  	s9 =	sadd.s32 $0xFFFFFEF7, lr;
	s5 =	simm.s32 $0xFFFFFFFF;
	p2 =	slt.u32 s8, $0xFFFFF086  }
0x1c: {  	p1 =	slt.u32 s9, $0xF7A;
	s5 =	simm.s32 @!p2 $0x0  }
0x1d: {  	s5 =	simm.s32 @p1 $0x1;
	p0 =	seq.s32 s7, s2  }
0x1e: {  	s7 =	smul.u32 @!p0 $0xF7A, s2;
	p2 =	seq.s32 @!p0 s5, $0x0  }
0x1f: {  	s9 =	smul.u32 $0xF7A, s1;
	s8 =	simm.s32 @!p0 $0x1BF5;
	p2 =	por !p2, p0  }
0x20: {  	[sflag:s8] =	ssyncset.s32 @!p0 $0xFFFFF086;
	s6 =	sadd.s32 @!p0 s3, s7;
	s7 =	simm.s32 @!p0 $0x108  }
0x21: {  	s3 =	sadd.s32 s3, s9;
	s6 =	sadd.s32 @!p0 $0x88, s6;
	s7 =	simm.s32 @p2 $0x1082  }
0x22: {  	[simem:s7], [sflag:s8] =	dma.local @!p0 [hbm:s6], $0xF7A  }
0x23: {  	s9 =	sor.u32 $0xD0000000, s2;
	s6 =	simm.s32 $0x108;
	_ =	swait.ge @!p0 [sflag:s8], $0x0  }
0x24: {  	s3 =	sadd.s32 $0x88, s3;
	s6 =	simm.s32 @!p1 $0x1082;
	[sflag:s4] =	ssyncset.s32 $0xFFFFF086  }
0x25: {  	[simem:s6], [sflag:s4] =	dma.local [hbm:s3], $0xF7A  }
0x26: {  	[smem:$0x3F9F] =	sst s1;
	(tag) =	ssettag s2;
	_ =	strace s9  }
0x27: {  	s1 =	sld [smem:$0x3FAF]  }
0x28: {  	s2 =	sld [smem:$0x3FB0]  }
0x29: {  	s4 =	sld [smem:$0x3FB2]  }
0x2a: {  	p0 =	seq.s32 s5, $0x0;
	s5 =	sld [smem:$0x3FB3]  }
0x2b: {  	s6 =	sld [smem:$0x3FB4]  }
0x2c: {  	s7 =	sld [smem:$0x3FB5]  }
0x2d: {  	s3 =	simm.s32 $0x108;
	s8 =	sld [smem:$0x3FB6]  }
0x2e: {  	s3 =	simm.s32 @!p0 $0x1082;
	s9 =	sld [smem:$0x3FB7]  }
0x2f: {  	lr =	sadd.s32 s0, s3;
	s0 =	sld [smem:$0x3FAE]  }
0x30: {  	s3 =	sld [smem:$0x3FB1]  }
0x31: {  	[smem:$0x3FBA] =	sst s10  }
0x32: {  	s10 =	sld [smem:$0x3FB8];
	_ =	sdelay $0x3  }
0x33: {  	p0 =	seq.s32 s10, $0x1;
	s10 =	sld [smem:$0x3FBA];
	_ =	sdelay $0x3  }
0x34: {  	[smem:$0x3FBA] =	sst s10  }
0x35: {  	s10 =	sld [smem:$0x3FB9];
	_ =	sdelay $0x3  }
0x36: {  	p1 =	seq.s32 s10, $0x1;
	s10 =	sld [smem:$0x3FBA];
	_ =	sdelay $0x3  }
0x37: {  	[smem:$0x3FBA] =	sst s10  }
0x38: {  	s10 =	sld [smem:$0x3FBB]  }
0x39: {  	_ = 	snop;
	(pc) =	sbr.ind lr, $3  }
0x3a: {  	_ = 	snop  }
0x3b: {  	_ = 	snop  }
0x3c: {  	p2 =	seq.s32 s10, $0x1;
	s10 =	sld [smem:$0x3FBA]  }
0x3d: {  	_ =	shalt  }
0x3e: {  	_ =	shalt  }
0x3f: {  	_ =	shalt  }
0x40: {  	_ =	shalt  }
0x41: {  	_ =	shalt  }
0x42: {  	_ =	shalt  }
0x43: {  	_ =	shalt  }
0x44: {  	_ =	shalt  }
0x45: {  	_ =	shalt  }
0x46: {  	_ =	shalt  }
0x47: {  	_ =	shalt  }
0x48: {  	_ =	shalt  }
0x49: {  	_ =	shalt  }
0x4a: {  	_ =	shalt  }
0x4b: {  	_ =	shalt  }
0x4c: {  	_ =	shalt  }
0x4d: {  	_ =	shalt  }
0x4e: {  	_ =	shalt  }
0x4f: {  	_ =	shalt  }
0x50: {  	_ =	shalt  }
0x51: {  	_ =	shalt  }
0x52: {  	_ =	shalt  }
0x53: {  	_ =	shalt  }
0x54: {  	_ =	shalt  }
0x55: {  	_ =	shalt  }
0x56: {  	_ =	shalt  }
0x57: {  	_ =	shalt  }
0x58: {  	_ =	shalt  }
0x59: {  	_ =	shalt  }
0x5a: {  	_ =	shalt  }
0x5b: {  	_ =	shalt  }
0x5c: {  	_ =	shalt  }
0x5d: {  	_ =	shalt  }
0x5e: {  	_ =	shalt  }
0x5f: {  	_ =	shalt  }
0x60: {  	_ =	shalt  }
0x61: {  	_ =	shalt  }
0x62: {  	_ =	shalt  }
0x63: {  	_ =	shalt  }
0x64: {  	_ =	shalt  }
0x65: {  	_ =	shalt  }
0x66: {  	_ =	shalt  }
0x67: {  	_ =	shalt  }
0x68: {  	_ =	shalt  }
0x69: {  	_ =	shalt  }
0x6a: {  	_ =	shalt  }
0x6b: {  	_ =	shalt  }
0x6c: {  	_ =	shalt  }
0x6d: {  	_ =	shalt  }
0x6e: {  	_ =	shalt  }
0x6f: {  	_ =	shalt  }
0x70: {  	_ =	shalt  }
0x71: {  	_ =	shalt  }
0x72: {  	_ =	shalt  }
0x73: {  	_ =	shalt  }
0x74: {  	_ =	shalt  }
0x75: {  	_ =	shalt  }
0x76: {  	_ =	shalt  }
0x77: {  	_ =	shalt  }
0x78: {  	_ =	shalt  }
0x79: {  	_ =	shalt  }
0x7a: {  	_ =	shalt  }
0x7b: {  	_ =	shalt  }
0x7c: {  	_ =	shalt  }
0x7d: {  	_ =	shalt  }
0x7e: {  	_ =	shalt  }
0x7f: {  	_ =	shalt  }
0x80: {  	_ =	shalt  }
0x81: {  	_ =	shalt  }
0x82: {  	_ =	shalt  }
0x83: {  	_ =	shalt  }
0x84: {  	_ =	shalt  }
0x85: {  	_ =	shalt  }
0x86: {  	_ =	shalt  }
0x87: {  	_ =	shalt  }
.Lfunc_end0:
.L_simem_size_0:
called_computation_lowered:
.L_overlay_start_0:
0x88: {  	s2 =	sld [smem:$0x3FD9]  }
0x89: {  	s3 =	sld [smem:$0x3FFE];
	_ =	sdelay $0x1  }
0x8a: {  	s1 =	srdreg.scid  }
0x8b: {  	s0 =	sand.u32 $0x1, s1  }
0x8c: {  	s14 =	sshll.u32 s0, $0xA;
	s2 =	sadd.s32 s3, s2  }
0x8d: {  	s2 =	sadd.s32 s2, s14  }
0x8e: {  	[smem:$0x3FC6] =	sst s2  }
0x8f: {  	_ = 	snop  }
0x90: {  	s2 =	sld [smem:$0x3FD0];
	_ =	sdelay $0x2  }
0x91: {  	s15 =	simm.s32 $0xA;
	s4 =	simm.s32 $0x10  }
0x92: {  	[smem:s4], [sflag:s15] =	dma.local [hbm:s2], $0x1  }
0x93: {  	_ =	swait.eq [sflag:s15], $0x1  }
0x94: {  	[sflag:s15] =	ssyncset.done $0x0  }
0x95: {  	[sflag:s15] =	ssyncadd.s32 $0xFFFFFFFF  }
0x96: {  	s16 =	sld [smem:$0x10];
	(tm) =	ssettm $0x1  }
0x97: {  	s17 =	sld [smem:$0x3FFB];
	_ =	sdelay $0x3  }
0x98: {  	_ =	strace s17  }
0x99: {  	s3 =	sld [smem:$0x3FFC];
	_ =	sdelay $0x3  }
0x9a: {  	_ =	strace s3  }
0x9b: {  	s3 =	sld [smem:$0x3FFD];
	_ =	sdelay $0x3  }
0x9c: {  	_ =	strace s3  }
0x9d: {  	_ =	strace $0x8FFFFFFF  }
0x9e: {  	s18 =	sld [smem:$0x3FDB];
	_ =	sdelay $0x1  }
0x9f: {  	s19 =	simm.s32 $_scs_section_size  }
0xa0: {  	s5 =	simm.s32 $_size__tile_overlayer_lowered;
	s6 =	simm.s32 $_tile_overlayer_lowered  }
0xa1: {  	s22 =	simm.s32 $0x1BFF;
	s21 =	sshll.u32 s6, $0x1;
	s3 =	sadd.s32 s19, s18  }
0xa2: {  	s7 =	simm.s32 $0x0;
	s20 =	sshll.u32 s5, $0x1;
	s5 =	sadd.s32 s21, s3  }
0xa3: {  	[timem:s7], [sflag:s22] =	dma.local [hbm:s5], s20  }
0xa4: {  	_ =	swait.ge [sflag:s22], s20  }
0xa5: {  	s4 =	ssub.s32 $0x0, s20;
	[sflag:s22] =	ssyncset.done $0x0  }
0xa6: {  	[sflag:s22] =	ssyncadd.s32 s4;
	_ =	sdelay $0x1  }
0xa7: {  	s23 =	simm.s32 $0x1B8B  }
0xa8: {  	_ =	swait.ge [sflag:s23], $0x1  }
0xa9: {  	[sflag:s23] =	ssyncset.done $0x0  }
0xaa: {  	s25 =	simm.s32 $0x1B8E;
	s24 =	sld [smem:$0x3FFE];
	[sflag:s23] =	ssyncadd.s32 $0xFFFFFFFF  }
0xab: {  	s26 =	simm.s32 $execute0_lowered;
	[smem:$0x3FD2] =	sst s25  }
0xac: {  	s5 =	sshll.u32 s26, $0x1;
	_ =	strace $0x80000046;
	[dreg:$0x1] =	wrdreg $0xFFFFFFFF  }
0xad: {  	s28 =	simm.s32 $_size_execute0_lowered;
	s3 =	sadd.s32 s3, s5;
	[dreg:$0x0] =	wrdreg $0x0  }
0xae: {  	s5 =	sshll.u32 s28, $0x1;
	[dreg:$0x2] =	wrdreg s3  }
0xaf: {  	[dreg:$0x3] =	wrdreg s5  }
0xb0: {  	[dreg:$0x4] =	wrdreg $0xC0  }
0xb1: {  	_ =	task [dreg:s7], $0x5FFFF  }
0xb2: {  	[dreg:$0x1] =	wrdreg $0xFFFFFFFF  }
0xb3: {  	[dreg:$0x0] =	wrdreg $0x60  }
0xb4: {  	[dreg:$0x2] =	wrdreg s24  }
0xb5: {  	[dreg:$0x3] =	wrdreg s16  }
0xb6: {  	[dreg:$0x4] =	wrdreg $0x9  }
0xb7: {  	_ =	task.clear_ibuf [dreg:s7], $0x5FFFF;
	_ =	strace $0x90000046  }
0xb8: {  	s29 =	simm.s32 $0x9;
	_ =	strace $0x80000048  }
0xb9: {  	_ =	swait.ge [sflag:s29], $0x1  }
0xba: {  	[sflag:s29] =	ssyncadd.s32 $0xFFFFFFFF  }
0xbb: {  	_ =	strace $0x90000048  }
0xbc: {  	_ =	sfence  }
0xbd: {  	s30 =	sld [smem:$0x0];
	_ =	sdelay $0x2  }
0xbe: {  	s31 =	sshll.u32 s1, $0xD;
	s1 =	sshrl.u32 s1, $0x2  }
0xbf: {  	s3 =	sand.u32 $0x4000, s31;
	s1 =	sadd.s32 s1, s30  }
0xc0: {  	s0 =	sor.u32 s3, s0;
	s1 =	sshll.u32 s1, $0x11  }
0xc1: {  	s0 =	sor.u32 s1, s0  }
0xc2: {  	s0 =	sadd.s32 $0x8F2B, s0  }
0xc3: {  	[sflag:s0] =	ssyncadd.remote.s32 $0x1  }
0xc4: {  	_ =	sfence.sel $0xFFFF  }
0xc5: {  	[dreg:$0x0] =	wrdreg $0xFFFFFFFF;
	(pc) =	sbr.abs _section_cstart, $3  }
0xc6: {  	[dreg:$0x1] =	wrdreg $0xFFFFFFFF  }
0xc7: {  	_ =	task.clear_ibuf [dreg:s7], $0x2FFFF;
	_ =	strace $0x9FFFFFFF  }
0xc8: {  	(tm) =	ssettm $0x7FFFFFFF  }
0xc9: {  	_ =	shalt  }
tec
execute0_lowered:
.L_overlay_start_1:
0x0: {  	(tag) =	ssettag $0x1  }
0x1: {  	s4 =	rddreg [dreg:$0x0]  }
0x2: {  	s5 =	rddreg [dreg:$0x1]  }
0x3: {  	s0 =	rddreg [dreg:$0x2];
	s2 =	simm.s32 $0x0;
	s1 =	stileid.u32  }
0x4: {  	s3 =	srdreg.scid;
	s10 =	simm.s32 $0x400;
	s11 =	simm.s32 $0x100  }
0x5: {  	s12 =	simm.s32 $0x10400;
	s13 =	simm.s32 $0x0;
	[smem:$0x7FF] =	sst s2  }
0x6: {  	s6 =	sshll.u32 s1, $0x8;
	s7 =	sand.u32 $0x1, s3;
	s8 =	sshll.u32 s1, $0x1  }
0x7: {  	s3 =	sadd.s32 $0x600, s4;
	_ =	strace $0x80000047;
	s8 =	sor.u32 s7, s8  }
0x8: {  	s6 =	sand.u32 $0xC00, s6;
	s29 =	ssub.s32 $0x2, s7;
	s30 =	sshll.u32 s8, $0x4  }
0x9: {  	s4 =	sadd.s32 s6, s4;
	s9 =	sshrl.u32 s29, $0x1;
	s7 =	sand.u32 $0x70, s30  }
0xa: {  	s8 =	sshll.u32 s8, $0xD;
	s9 =	ssub.s32 s29, s9;
	s31 =	sadd.s32 s7, s4  }
0xb: {  	s4 =	sadd.s32 s5, s8;
	s7 =	smax.u32 s9, $0x1;
	s8 =	simm.s32 $0x1  }
0xc: {  	s9 =	simm.s32 $0x80;
	s5 =	sadd.s32 $0x2600, s31;
	s6 =	sadd.s32 $0x10, s4  }
.LBB2_1:
0xd: {  	[tilespmem:s2], [sflag:$0x1] =	stream.linear.gather [hbm4b:s3+s2], $0x10000, $0x38;
	[tilespmem:$0x18400] =	vst v63  }
0xe: {  	_ =	swait.ge [sflag:s8], $0x10000  }
0xf: {  	[sflag:s8] =	ssyncset.done $0x0  }
0x10: {  	s14 =	simm.s32 $0x10000;
	[sflag:s8] =	ssyncadd.s32 $0xFFFF0000  }
0x11: {  	[tilespmem:s14], [sflag:$0x1] =	stream.strided.gather [hbm4b:s5+s9], $0x400, s10, s9, $0x38;
	[tilespmem:$0x18400] =	vst v63  }
0x12: {  	_ =	swait.ge [sflag:s8], $0x400  }
0x13: {  	[sflag:s8] =	ssyncset.done $0x0  }
0x14: {  	[sflag:s8] =	ssyncadd.s32 $0xFFFFFC00  }
0x15: {  	v0 =	vld [tilespmem:s14+$0x0];
	_ =	sdelay $0x7  }
0x16: {  	v1 =	vld.idx.msk [tilespmem:v0+s2+$0x0], $0xffff  }
0x17: {  	v2 =	vadd.s32 $0x400, v0;
	_ =	sdelay $0x3  }
0x18: {  	[tilespmem:s12+$0x0] =	vst v1  }
0x19: {  	v1 =	vld.idx.msk [tilespmem:v2+s2+$0x0], $0xffff  }
0x1a: {  	v35 =	vadd.s32 $0x800, v0;
	_ =	sdelay $0x2  }
0x1b: {  	s31 =	sand.u32 $0x3F0, s2  }
0x1c: {  	[tilespmem:s31+$0x10800] =	vst v1  }
0x1d: {  	v1 =	vld.idx.msk [tilespmem:v35+s2+$0x0], $0xffff  }
0x1e: {  	v36 =	vadd.s32 $0xC00, v0;
	_ =	sdelay $0x3  }
0x1f: {  	[tilespmem:s31+$0x10C00] =	vst v1  }
0x20: {  	v1 =	vld.idx.msk [tilespmem:v36+s2+$0x0], $0xffff  }
0x21: {  	v37 =	vadd.s32 $0x1000, v0;
	_ =	sdelay $0x3  }
0x22: {  	[tilespmem:s31+$0x11000] =	vst v1  }
0x23: {  	v1 =	vld.idx.msk [tilespmem:v37+s2+$0x0], $0xffff  }
0x24: {  	v38 =	vadd.s32 $0x1400, v0;
	_ =	sdelay $0x3  }
0x25: {  	[tilespmem:s31+$0x11400] =	vst v1  }
0x26: {  	v1 =	vld.idx.msk [tilespmem:v38+s2+$0x0], $0xffff  }
0x27: {  	v39 =	vadd.s32 $0x1800, v0;
	_ =	sdelay $0x3  }
0x28: {  	[tilespmem:s31+$0x11800] =	vst v1  }
0x29: {  	v1 =	vld.idx.msk [tilespmem:v39+s2+$0x0], $0xffff  }
0x2a: {  	v40 =	vadd.s32 $0x1C00, v0;
	_ =	sdelay $0x3  }
0x2b: {  	[tilespmem:s31+$0x11C00] =	vst v1  }
0x2c: {  	v1 =	vld.idx.msk [tilespmem:v40+s2+$0x0], $0xffff  }
0x2d: {  	v41 =	vadd.s32 $0x2000, v0;
	_ =	sdelay $0x3  }
0x2e: {  	[tilespmem:s31+$0x12000] =	vst v1  }
0x2f: {  	v1 =	vld.idx.msk [tilespmem:v41+s2+$0x0], $0xffff  }
0x30: {  	v42 =	vadd.s32 $0x2400, v0;
	_ =	sdelay $0x3  }
0x31: {  	[tilespmem:s31+$0x12400] =	vst v1  }
0x32: {  	v1 =	vld.idx.msk [tilespmem:v42+s2+$0x0], $0xffff  }
0x33: {  	v43 =	vadd.s32 $0x2800, v0;
	_ =	sdelay $0x3  }
0x34: {  	[tilespmem:s31+$0x12800] =	vst v1  }
0x35: {  	v1 =	vld.idx.msk [tilespmem:v43+s2+$0x0], $0xffff  }
0x36: {  	v44 =	vadd.s32 $0x2C00, v0;
	_ =	sdelay $0x3  }
0x37: {  	[tilespmem:s31+$0x12C00] =	vst v1  }
0x38: {  	v1 =	vld.idx.msk [tilespmem:v44+s2+$0x0], $0xffff  }
0x39: {  	v45 =	vadd.s32 $0x3000, v0;
	_ =	sdelay $0x3  }
0x3a: {  	[tilespmem:s31+$0x13000] =	vst v1  }
0x3b: {  	v1 =	vld.idx.msk [tilespmem:v45+s2+$0x0], $0xffff  }
0x3c: {  	v46 =	vadd.s32 $0x3400, v0;
	_ =	sdelay $0x3  }
0x3d: {  	[tilespmem:s31+$0x13400] =	vst v1  }
0x3e: {  	v1 =	vld.idx.msk [tilespmem:v46+s2+$0x0], $0xffff  }
0x3f: {  	v47 =	vadd.s32 $0x3800, v0;
	_ =	sdelay $0x3  }
0x40: {  	[tilespmem:s31+$0x13800] =	vst v1  }
0x41: {  	v1 =	vld.idx.msk [tilespmem:v47+s2+$0x0], $0xffff  }
0x42: {  	v48 =	vadd.s32 $0x3C00, v0;
	_ =	sdelay $0x3  }
0x43: {  	[tilespmem:s31+$0x13C00] =	vst v1  }
0x44: {  	v1 =	vld.idx.msk [tilespmem:v48+s2+$0x0], $0xffff  }
0x45: {  	v49 =	vadd.s32 $0x4000, v0;
	_ =	sdelay $0x3  }
0x46: {  	[tilespmem:s31+$0x14000] =	vst v1  }
0x47: {  	v1 =	vld.idx.msk [tilespmem:v49+s2+$0x0], $0xffff  }
0x48: {  	v50 =	vadd.s32 $0x4400, v0;
	_ =	sdelay $0x3  }
0x49: {  	[tilespmem:s31+$0x14400] =	vst v1  }
0x4a: {  	v1 =	vld.idx.msk [tilespmem:v50+s2+$0x0], $0xffff  }
0x4b: {  	v51 =	vadd.s32 $0x4800, v0;
	_ =	sdelay $0x3  }
0x4c: {  	[tilespmem:s31+$0x14800] =	vst v1  }
0x4d: {  	v1 =	vld.idx.msk [tilespmem:v51+s2+$0x0], $0xffff  }
0x4e: {  	v52 =	vadd.s32 $0x4C00, v0;
	_ =	sdelay $0x3  }
0x4f: {  	[tilespmem:s31+$0x14C00] =	vst v1  }
0x50: {  	v1 =	vld.idx.msk [tilespmem:v52+s2+$0x0], $0xffff  }
0x51: {  	v53 =	vadd.s32 $0x5000, v0;
	_ =	sdelay $0x3  }
0x52: {  	[tilespmem:s31+$0x15000] =	vst v1  }
0x53: {  	v1 =	vld.idx.msk [tilespmem:v53+s2+$0x0], $0xffff  }
0x54: {  	v54 =	vadd.s32 $0x5400, v0;
	_ =	sdelay $0x3  }
0x55: {  	[tilespmem:s31+$0x15400] =	vst v1  }
0x56: {  	v1 =	vld.idx.msk [tilespmem:v54+s2+$0x0], $0xffff  }
0x57: {  	v55 =	vadd.s32 $0x5800, v0;
	_ =	sdelay $0x3  }
0x58: {  	[tilespmem:s31+$0x15800] =	vst v1  }
0x59: {  	v1 =	vld.idx.msk [tilespmem:v55+s2+$0x0], $0xffff  }
0x5a: {  	v56 =	vadd.s32 $0x5C00, v0;
	_ =	sdelay $0x3  }
0x5b: {  	[tilespmem:s31+$0x15C00] =	vst v1  }
0x5c: {  	v1 =	vld.idx.msk [tilespmem:v56+s2+$0x0], $0xffff  }
0x5d: {  	v57 =	vadd.s32 $0x6000, v0;
	_ =	sdelay $0x3  }
0x5e: {  	[tilespmem:s31+$0x16000] =	vst v1  }
0x5f: {  	v1 =	vld.idx.msk [tilespmem:v57+s2+$0x0], $0xffff  }
0x60: {  	v58 =	vadd.s32 $0x6400, v0;
	_ =	sdelay $0x3  }
0x61: {  	[tilespmem:s31+$0x16400] =	vst v1  }
0x62: {  	v1 =	vld.idx.msk [tilespmem:v58+s2+$0x0], $0xffff  }
0x63: {  	v59 =	vadd.s32 $0x6800, v0;
	_ =	sdelay $0x3  }
0x64: {  	[tilespmem:s31+$0x16800] =	vst v1  }
0x65: {  	v1 =	vld.idx.msk [tilespmem:v59+s2+$0x0], $0xffff  }
0x66: {  	v60 =	vadd.s32 $0x6C00, v0;
	_ =	sdelay $0x3  }
0x67: {  	[tilespmem:s31+$0x16C00] =	vst v1  }
0x68: {  	v1 =	vld.idx.msk [tilespmem:v60+s2+$0x0], $0xffff  }
0x69: {  	v61 =	vadd.s32 $0x7000, v0;
	_ =	sdelay $0x3  }
0x6a: {  	[tilespmem:s31+$0x17000] =	vst v1  }
0x6b: {  	v1 =	vld.idx.msk [tilespmem:v61+s2+$0x0], $0xffff  }
0x6c: {  	v62 =	vadd.s32 $0x7400, v0;
	_ =	sdelay $0x3  }
0x6d: {  	[tilespmem:s31+$0x17400] =	vst v1  }
0x6e: {  	v1 =	vld.idx.msk [tilespmem:v62+s2+$0x0], $0xffff  }
0x6f: {  	v63 =	vadd.s32 $0x7800, v0;
	_ =	sdelay $0x3  }
0x70: {  	[tilespmem:s31+$0x17800] =	vst v1  }
0x71: {  	v1 =	vld.idx.msk [tilespmem:v63+s2+$0x0], $0xffff  }
0x72: {  	v0 =	vadd.s32 $0x7C00, v0;
	_ =	sdelay $0x3  }
0x73: {  	[tilespmem:s31+$0x17C00] =	vst v1  }
0x74: {  	v0 =	vld.idx.msk [tilespmem:v0+s2+$0x0], $0xffff;
	_ =	sdelay $0x4  }
0x75: {  	s15 =	simm.s32 $0x10;
	s16 =	simm.s32 $0x10400;
	s14 =	simm.s32 $0x10010;
	[tilespmem:s31+$0x18000] =	vst v0  }
.LBB2_2:
0x76: {  	v1 =	vld [tilespmem:s14+$0x0];
	p0 =	sne.s32 s15, $0x3F0;
	_ =	sdelay $0x4  }
0x77: {  	v0 =	vadd.s32 $0x7C00, v1;
	_ =	sdelay $0x2  }
0x78: {  	v2 =	vld.idx.msk [tilespmem:v1+s2+$0x0], $0xffff;
	_ =	sdelay $0x1  }
0x79: {  	v3 =	vadd.s32 $0x400, v1;
	_ =	sdelay $0x2  }
0x7a: {  	s16 =	sadd.s32 $0x10, s16  }
0x7b: {  	[tilespmem:s16+$0x0] =	vst v2  }
0x7c: {  	v2 =	vld.idx.msk [tilespmem:v3+s2+$0x0], $0xffff;
	_ =	sdelay $0x1  }
0x7d: {  	v3 =	vadd.s32 $0x800, v1;
	_ =	sdelay $0x2  }
0x7e: {  	s17 =	sand.u32 $0x3F0, s15  }
0x7f: {  	[tilespmem:s17+$0x10800] =	vst v2  }
0x80: {  	v2 =	vld.idx.msk [tilespmem:v3+s2+$0x0], $0xffff;
	_ =	sdelay $0x1  }
0x81: {  	v3 =	vadd.s32 $0xC00, v1;
	_ =	sdelay $0x3  }
0x82: {  	[tilespmem:s17+$0x10C00] =	vst v2  }
0x83: {  	v2 =	vld.idx.msk [tilespmem:v3+s2+$0x0], $0xffff;
	_ =	sdelay $0x1  }
0x84: {  	v3 =	vadd.s32 $0x1000, v1;
	_ =	sdelay $0x3  }
0x85: {  	[tilespmem:s17+$0x11000] =	vst v2  }
0x86: {  	v2 =	vld.idx.msk [tilespmem:v3+s2+$0x0], $0xffff;
	_ =	sdelay $0x1  }
0x87: {  	v3 =	vadd.s32 $0x1400, v1;
	_ =	sdelay $0x3  }
0x88: {  	[tilespmem:s17+$0x11400] =	vst v2  }
0x89: {  	v2 =	vld.idx.msk [tilespmem:v3+s2+$0x0], $0xffff;
	_ =	sdelay $0x1  }
0x8a: {  	v3 =	vadd.s32 $0x1800, v1;
	_ =	sdelay $0x3  }
0x8b: {  	[tilespmem:s17+$0x11800] =	vst v2  }
0x8c: {  	v2 =	vld.idx.msk [tilespmem:v3+s2+$0x0], $0xffff;
	_ =	sdelay $0x1  }
0x8d: {  	v3 =	vadd.s32 $0x1C00, v1;
	_ =	sdelay $0x3  }
0x8e: {  	[tilespmem:s17+$0x11C00] =	vst v2  }
0x8f: {  	v2 =	vld.idx.msk [tilespmem:v3+s2+$0x0], $0xffff;
	_ =	sdelay $0x1  }
0x90: {  	v3 =	vadd.s32 $0x2000, v1;
	_ =	sdelay $0x3  }
0x91: {  	[tilespmem:s17+$0x12000] =	vst v2  }
0x92: {  	v2 =	vld.idx.msk [tilespmem:v3+s2+$0x0], $0xffff;
	_ =	sdelay $0x1  }
0x93: {  	v3 =	vadd.s32 $0x2400, v1;
	_ =	sdelay $0x3  }
0x94: {  	[tilespmem:s17+$0x12400] =	vst v2  }
0x95: {  	v2 =	vld.idx.msk [tilespmem:v3+s2+$0x0], $0xffff;
	_ =	sdelay $0x1  }
0x96: {  	v3 =	vadd.s32 $0x2800, v1;
	_ =	sdelay $0x3  }
0x97: {  	[tilespmem:s17+$0x12800] =	vst v2  }
0x98: {  	v2 =	vld.idx.msk [tilespmem:v3+s2+$0x0], $0xffff;
	_ =	sdelay $0x1  }
0x99: {  	v3 =	vadd.s32 $0x2C00, v1;
	_ =	sdelay $0x3  }
0x9a: {  	[tilespmem:s17+$0x12C00] =	vst v2  }
0x9b: {  	v2 =	vld.idx.msk [tilespmem:v3+s2+$0x0], $0xffff;
	_ =	sdelay $0x1  }
0x9c: {  	v3 =	vadd.s32 $0x3000, v1;
	_ =	sdelay $0x3  }
0x9d: {  	[tilespmem:s17+$0x13000] =	vst v2  }
0x9e: {  	v2 =	vld.idx.msk [tilespmem:v3+s2+$0x0], $0xffff;
	_ =	sdelay $0x1  }
0x9f: {  	v3 =	vadd.s32 $0x3400, v1;
	_ =	sdelay $0x3  }
0xa0: {  	[tilespmem:s17+$0x13400] =	vst v2  }
0xa1: {  	v2 =	vld.idx.msk [tilespmem:v3+s2+$0x0], $0xffff;
	_ =	sdelay $0x1  }
0xa2: {  	v3 =	vadd.s32 $0x3800, v1;
	_ =	sdelay $0x3  }
0xa3: {  	[tilespmem:s17+$0x13800] =	vst v2  }
0xa4: {  	v2 =	vld.idx.msk [tilespmem:v3+s2+$0x0], $0xffff;
	_ =	sdelay $0x1  }
0xa5: {  	v3 =	vadd.s32 $0x3C00, v1;
	_ =	sdelay $0x3  }
0xa6: {  	[tilespmem:s17+$0x13C00] =	vst v2  }
0xa7: {  	v2 =	vld.idx.msk [tilespmem:v3+s2+$0x0], $0xffff;
	_ =	sdelay $0x1  }
0xa8: {  	v3 =	vadd.s32 $0x4000, v1;
	_ =	sdelay $0x3  }
0xa9: {  	[tilespmem:s17+$0x14000] =	vst v2  }
0xaa: {  	v2 =	vld.idx.msk [tilespmem:v3+s2+$0x0], $0xffff;
	_ =	sdelay $0x1  }
0xab: {  	v3 =	vadd.s32 $0x4400, v1;
	_ =	sdelay $0x3  }
0xac: {  	[tilespmem:s17+$0x14400] =	vst v2  }
0xad: {  	v2 =	vld.idx.msk [tilespmem:v3+s2+$0x0], $0xffff;
	_ =	sdelay $0x1  }
0xae: {  	v3 =	vadd.s32 $0x4800, v1;
	_ =	sdelay $0x3  }
0xaf: {  	[tilespmem:s17+$0x14800] =	vst v2  }
0xb0: {  	v2 =	vld.idx.msk [tilespmem:v3+s2+$0x0], $0xffff;
	_ =	sdelay $0x1  }
0xb1: {  	v3 =	vadd.s32 $0x4C00, v1;
	_ =	sdelay $0x3  }
0xb2: {  	[tilespmem:s17+$0x14C00] =	vst v2  }
0xb3: {  	v2 =	vld.idx.msk [tilespmem:v3+s2+$0x0], $0xffff;
	_ =	sdelay $0x1  }
0xb4: {  	v3 =	vadd.s32 $0x5000, v1;
	_ =	sdelay $0x3  }
0xb5: {  	[tilespmem:s17+$0x15000] =	vst v2  }
0xb6: {  	v2 =	vld.idx.msk [tilespmem:v3+s2+$0x0], $0xffff;
	_ =	sdelay $0x1  }
0xb7: {  	v3 =	vadd.s32 $0x5400, v1;
	_ =	sdelay $0x3  }
0xb8: {  	[tilespmem:s17+$0x15400] =	vst v2  }
0xb9: {  	v2 =	vld.idx.msk [tilespmem:v3+s2+$0x0], $0xffff;
	_ =	sdelay $0x1  }
0xba: {  	v3 =	vadd.s32 $0x5800, v1;
	_ =	sdelay $0x3  }
0xbb: {  	[tilespmem:s17+$0x15800] =	vst v2  }
0xbc: {  	v2 =	vld.idx.msk [tilespmem:v3+s2+$0x0], $0xffff;
	_ =	sdelay $0x1  }
0xbd: {  	v3 =	vadd.s32 $0x5C00, v1;
	_ =	sdelay $0x3  }
0xbe: {  	[tilespmem:s17+$0x15C00] =	vst v2  }
0xbf: {  	v2 =	vld.idx.msk [tilespmem:v3+s2+$0x0], $0xffff;
	_ =	sdelay $0x1  }
0xc0: {  	v3 =	vadd.s32 $0x6000, v1;
	_ =	sdelay $0x3  }
0xc1: {  	[tilespmem:s17+$0x16000] =	vst v2  }
0xc2: {  	v2 =	vld.idx.msk [tilespmem:v3+s2+$0x0], $0xffff;
	_ =	sdelay $0x1  }
0xc3: {  	v3 =	vadd.s32 $0x6400, v1;
	_ =	sdelay $0x3  }
0xc4: {  	[tilespmem:s17+$0x16400] =	vst v2  }
0xc5: {  	v2 =	vld.idx.msk [tilespmem:v3+s2+$0x0], $0xffff;
	_ =	sdelay $0x1  }
0xc6: {  	v3 =	vadd.s32 $0x6800, v1;
	_ =	sdelay $0x3  }
0xc7: {  	[tilespmem:s17+$0x16800] =	vst v2  }
0xc8: {  	v2 =	vld.idx.msk [tilespmem:v3+s2+$0x0], $0xffff;
	_ =	sdelay $0x1  }
0xc9: {  	v3 =	vadd.s32 $0x6C00, v1;
	_ =	sdelay $0x3  }
0xca: {  	[tilespmem:s17+$0x16C00] =	vst v2  }
0xcb: {  	v2 =	vld.idx.msk [tilespmem:v3+s2+$0x0], $0xffff;
	_ =	sdelay $0x1  }
0xcc: {  	v3 =	vadd.s32 $0x7000, v1;
	_ =	sdelay $0x3  }
0xcd: {  	[tilespmem:s17+$0x17000] =	vst v2  }
0xce: {  	v2 =	vld.idx.msk [tilespmem:v3+s2+$0x0], $0xffff;
	_ =	sdelay $0x1  }
0xcf: {  	v3 =	vadd.s32 $0x7400, v1;
	_ =	sdelay $0x3  }
0xd0: {  	[tilespmem:s17+$0x17400] =	vst v2  }
0xd1: {  	v2 =	vld.idx.msk [tilespmem:v3+s2+$0x0], $0xffff;
	_ =	sdelay $0x1  }
0xd2: {  	v1 =	vadd.s32 $0x7800, v1;
	_ =	sdelay $0x3  }
0xd3: {  	[tilespmem:s17+$0x17800] =	vst v2  }
0xd4: {  	v1 =	vld.idx.msk [tilespmem:v1+s2+$0x0], $0xffff;
	_ =	sdelay $0x5  }
0xd5: {  	[tilespmem:s17+$0x17C00] =	vst v1  }
0xd6: {  	v0 =	vld.idx.msk [tilespmem:v0+s2+$0x0], $0xffff;
	_ =	sdelay $0x1  }
.Ltmp0:
0xd7: {  	(pc) =	sbr.rel @p0 .LBB2_2-.Ltmp0, $2  }
0xd8: {  	_ =	sdelay $0x2  }
0xd9: {  	s14 =	sadd.s32 $0x10, s14;
	s15 =	sadd.s32 $0x10, s15;
	[tilespmem:s17+$0x18000] =	vst v0  }
0xda: {  	s14 =	simm.s32 $0x10400  }
0xdb: {  	[hbm4b:s4+s9] =	stream.strided.scatter [tilespmem:s14], [sflag:$0x1], $0x8000, s11, s9, $0x38;
	[tilespmem:$0x18400] =	vst v63  }
0xdc: {  	_ =	swait.ge [sflag:s8], $0x8000  }
0xdd: {  	[sflag:s8] =	ssyncset.done $0x0  }
0xde: {  	s15 =	simm.s32 $0x10000;
	[sflag:s8] =	ssyncadd.s32 $0xFFFF8000  }
0xdf: {  	v0 =	vld [tilespmem:s15+$0x0];
	_ =	sdelay $0x4  }
0xe0: {  	v1 =	vadd.s32 $0x8000, v0;
	_ =	sdelay $0x4  }
0xe1: {  	v1 =	vld.idx.msk [tilespmem:v1+s2+$0x0], $0xffff  }
0xe2: {  	v2 =	vadd.s32 $0x8400, v0;
	_ =	sdelay $0x3  }
0xe3: {  	[tilespmem:s14+$0x0] =	vst v1  }
0xe4: {  	v1 =	vld.idx.msk [tilespmem:v2+s2+$0x0], $0xffff  }
0xe5: {  	v35 =	vadd.s32 $0x8800, v0;
	_ =	sdelay $0x1  }
0xe6: {  	s31 =	simm.s32 $0x0  }
0xe7: {  	s15 =	sand.u32 $0x3F0, s31  }
0xe8: {  	[tilespmem:s15+$0x10800] =	vst v1  }
0xe9: {  	v1 =	vld.idx.msk [tilespmem:v35+s2+$0x0], $0xffff  }
0xea: {  	v36 =	vadd.s32 $0x8C00, v0;
	_ =	sdelay $0x3  }
0xeb: {  	[tilespmem:s15+$0x10C00] =	vst v1  }
0xec: {  	v1 =	vld.idx.msk [tilespmem:v36+s2+$0x0], $0xffff  }
0xed: {  	v37 =	vadd.s32 $0x9000, v0;
	_ =	sdelay $0x3  }
0xee: {  	[tilespmem:s15+$0x11000] =	vst v1  }
0xef: {  	v1 =	vld.idx.msk [tilespmem:v37+s2+$0x0], $0xffff  }
0xf0: {  	v38 =	vadd.s32 $0x9400, v0;
	_ =	sdelay $0x3  }
0xf1: {  	[tilespmem:s15+$0x11400] =	vst v1  }
0xf2: {  	v1 =	vld.idx.msk [tilespmem:v38+s2+$0x0], $0xffff  }
0xf3: {  	v39 =	vadd.s32 $0x9800, v0;
	_ =	sdelay $0x3  }
0xf4: {  	[tilespmem:s15+$0x11800] =	vst v1  }
0xf5: {  	v1 =	vld.idx.msk [tilespmem:v39+s2+$0x0], $0xffff  }
0xf6: {  	v40 =	vadd.s32 $0x9C00, v0;
	_ =	sdelay $0x3  }
0xf7: {  	[tilespmem:s15+$0x11C00] =	vst v1  }
0xf8: {  	v1 =	vld.idx.msk [tilespmem:v40+s2+$0x0], $0xffff  }
0xf9: {  	v41 =	vadd.s32 $0xA000, v0;
	_ =	sdelay $0x3  }
0xfa: {  	[tilespmem:s15+$0x12000] =	vst v1  }
0xfb: {  	v1 =	vld.idx.msk [tilespmem:v41+s2+$0x0], $0xffff  }
0xfc: {  	v42 =	vadd.s32 $0xA400, v0;
	_ =	sdelay $0x3  }
0xfd: {  	[tilespmem:s15+$0x12400] =	vst v1  }
0xfe: {  	v1 =	vld.idx.msk [tilespmem:v42+s2+$0x0], $0xffff  }
0xff: {  	v43 =	vadd.s32 $0xA800, v0;
	_ =	sdelay $0x3  }
0x100: {  	[tilespmem:s15+$0x12800] =	vst v1  }
0x101: {  	v1 =	vld.idx.msk [tilespmem:v43+s2+$0x0], $0xffff  }
0x102: {  	v44 =	vadd.s32 $0xAC00, v0;
	_ =	sdelay $0x3  }
0x103: {  	[tilespmem:s15+$0x12C00] =	vst v1  }
0x104: {  	v1 =	vld.idx.msk [tilespmem:v44+s2+$0x0], $0xffff  }
0x105: {  	v45 =	vadd.s32 $0xB000, v0;
	_ =	sdelay $0x3  }
0x106: {  	[tilespmem:s15+$0x13000] =	vst v1  }
0x107: {  	v1 =	vld.idx.msk [tilespmem:v45+s2+$0x0], $0xffff  }
0x108: {  	v46 =	vadd.s32 $0xB400, v0;
	_ =	sdelay $0x3  }
0x109: {  	[tilespmem:s15+$0x13400] =	vst v1  }
0x10a: {  	v1 =	vld.idx.msk [tilespmem:v46+s2+$0x0], $0xffff  }
0x10b: {  	v47 =	vadd.s32 $0xB800, v0;
	_ =	sdelay $0x3  }
0x10c: {  	[tilespmem:s15+$0x13800] =	vst v1  }
0x10d: {  	v1 =	vld.idx.msk [tilespmem:v47+s2+$0x0], $0xffff  }
0x10e: {  	v48 =	vadd.s32 $0xBC00, v0;
	_ =	sdelay $0x3  }
0x10f: {  	[tilespmem:s15+$0x13C00] =	vst v1  }
0x110: {  	v1 =	vld.idx.msk [tilespmem:v48+s2+$0x0], $0xffff  }
0x111: {  	v49 =	vadd.s32 $0xC000, v0;
	_ =	sdelay $0x3  }
0x112: {  	[tilespmem:s15+$0x14000] =	vst v1  }
0x113: {  	v1 =	vld.idx.msk [tilespmem:v49+s2+$0x0], $0xffff  }
0x114: {  	v50 =	vadd.s32 $0xC400, v0;
	_ =	sdelay $0x3  }
0x115: {  	[tilespmem:s15+$0x14400] =	vst v1  }
0x116: {  	v1 =	vld.idx.msk [tilespmem:v50+s2+$0x0], $0xffff  }
0x117: {  	v51 =	vadd.s32 $0xC800, v0;
	_ =	sdelay $0x3  }
0x118: {  	[tilespmem:s15+$0x14800] =	vst v1  }
0x119: {  	v1 =	vld.idx.msk [tilespmem:v51+s2+$0x0], $0xffff  }
0x11a: {  	v52 =	vadd.s32 $0xCC00, v0;
	_ =	sdelay $0x3  }
0x11b: {  	[tilespmem:s15+$0x14C00] =	vst v1  }
0x11c: {  	v1 =	vld.idx.msk [tilespmem:v52+s2+$0x0], $0xffff  }
0x11d: {  	v53 =	vadd.s32 $0xD000, v0;
	_ =	sdelay $0x3  }
0x11e: {  	[tilespmem:s15+$0x15000] =	vst v1  }
0x11f: {  	v1 =	vld.idx.msk [tilespmem:v53+s2+$0x0], $0xffff  }
0x120: {  	v54 =	vadd.s32 $0xD400, v0;
	_ =	sdelay $0x3  }
0x121: {  	[tilespmem:s15+$0x15400] =	vst v1  }
0x122: {  	v1 =	vld.idx.msk [tilespmem:v54+s2+$0x0], $0xffff  }
0x123: {  	v55 =	vadd.s32 $0xD800, v0;
	_ =	sdelay $0x3  }
0x124: {  	[tilespmem:s15+$0x15800] =	vst v1  }
0x125: {  	v1 =	vld.idx.msk [tilespmem:v55+s2+$0x0], $0xffff  }
0x126: {  	v56 =	vadd.s32 $0xDC00, v0;
	_ =	sdelay $0x3  }
0x127: {  	[tilespmem:s15+$0x15C00] =	vst v1  }
0x128: {  	v1 =	vld.idx.msk [tilespmem:v56+s2+$0x0], $0xffff  }
0x129: {  	v57 =	vadd.s32 $0xE000, v0;
	_ =	sdelay $0x3  }
0x12a: {  	[tilespmem:s15+$0x16000] =	vst v1  }
0x12b: {  	v1 =	vld.idx.msk [tilespmem:v57+s2+$0x0], $0xffff  }
0x12c: {  	v58 =	vadd.s32 $0xE400, v0;
	_ =	sdelay $0x3  }
0x12d: {  	[tilespmem:s15+$0x16400] =	vst v1  }
0x12e: {  	v1 =	vld.idx.msk [tilespmem:v58+s2+$0x0], $0xffff  }
0x12f: {  	v59 =	vadd.s32 $0xE800, v0;
	_ =	sdelay $0x3  }
0x130: {  	[tilespmem:s15+$0x16800] =	vst v1  }
0x131: {  	v1 =	vld.idx.msk [tilespmem:v59+s2+$0x0], $0xffff  }
0x132: {  	v60 =	vadd.s32 $0xEC00, v0;
	_ =	sdelay $0x3  }
0x133: {  	[tilespmem:s15+$0x16C00] =	vst v1  }
0x134: {  	v1 =	vld.idx.msk [tilespmem:v60+s2+$0x0], $0xffff  }
0x135: {  	v61 =	vadd.s32 $0xF000, v0;
	_ =	sdelay $0x3  }
0x136: {  	[tilespmem:s15+$0x17000] =	vst v1  }
0x137: {  	v1 =	vld.idx.msk [tilespmem:v61+s2+$0x0], $0xffff  }
0x138: {  	v62 =	vadd.s32 $0xF400, v0;
	_ =	sdelay $0x3  }
0x139: {  	[tilespmem:s15+$0x17400] =	vst v1  }
0x13a: {  	v1 =	vld.idx.msk [tilespmem:v62+s2+$0x0], $0xffff  }
0x13b: {  	v63 =	vadd.s32 $0xF800, v0;
	_ =	sdelay $0x3  }
0x13c: {  	[tilespmem:s15+$0x17800] =	vst v1  }
0x13d: {  	v1 =	vld.idx.msk [tilespmem:v63+s2+$0x0], $0xffff  }
0x13e: {  	v0 =	vadd.s32 $0xFC00, v0;
	_ =	sdelay $0x3  }
0x13f: {  	[tilespmem:s15+$0x17C00] =	vst v1  }
0x140: {  	v0 =	vld.idx.msk [tilespmem:v0+s2+$0x0], $0xffff;
	_ =	sdelay $0x4  }
0x141: {  	s16 =	simm.s32 $0x10;
	[tilespmem:s15+$0x18000] =	vst v0;
	s15 =	simm.s32 $0x10010  }
.LBB2_4:
0x142: {  	v1 =	vld [tilespmem:s15+$0x0];
	p0 =	sne.s32 s16, $0x3F0;
	_ =	sdelay $0x4  }
0x143: {  	v2 =	vadd.s32 $0x8000, v1;
	v0 =	vadd.s32 $0xFC00, v1;
	_ =	sdelay $0x4  }
0x144: {  	v2 =	vld.idx.msk [tilespmem:v2+s2+$0x0], $0xffff;
	_ =	sdelay $0x1  }
0x145: {  	v3 =	vadd.s32 $0x8400, v1;
	_ =	sdelay $0x2  }
0x146: {  	s14 =	sadd.s32 $0x10, s14  }
0x147: {  	[tilespmem:s14+$0x0] =	vst v2  }
0x148: {  	v2 =	vld.idx.msk [tilespmem:v3+s2+$0x0], $0xffff;
	_ =	sdelay $0x1  }
0x149: {  	v3 =	vadd.s32 $0x8800, v1;
	_ =	sdelay $0x2  }
0x14a: {  	s17 =	sand.u32 $0x3F0, s16  }
0x14b: {  	[tilespmem:s17+$0x10800] =	vst v2  }
0x14c: {  	v2 =	vld.idx.msk [tilespmem:v3+s2+$0x0], $0xffff;
	_ =	sdelay $0x1  }
0x14d: {  	v3 =	vadd.s32 $0x8C00, v1;
	_ =	sdelay $0x3  }
0x14e: {  	[tilespmem:s17+$0x10C00] =	vst v2  }
0x14f: {  	v2 =	vld.idx.msk [tilespmem:v3+s2+$0x0], $0xffff;
	_ =	sdelay $0x1  }
0x150: {  	v3 =	vadd.s32 $0x9000, v1;
	_ =	sdelay $0x3  }
0x151: {  	[tilespmem:s17+$0x11000] =	vst v2  }
0x152: {  	v2 =	vld.idx.msk [tilespmem:v3+s2+$0x0], $0xffff;
	_ =	sdelay $0x1  }
0x153: {  	v3 =	vadd.s32 $0x9400, v1;
	_ =	sdelay $0x3  }
0x154: {  	[tilespmem:s17+$0x11400] =	vst v2  }
0x155: {  	v2 =	vld.idx.msk [tilespmem:v3+s2+$0x0], $0xffff;
	_ =	sdelay $0x1  }
0x156: {  	v3 =	vadd.s32 $0x9800, v1;
	_ =	sdelay $0x3  }
0x157: {  	[tilespmem:s17+$0x11800] =	vst v2  }
0x158: {  	v2 =	vld.idx.msk [tilespmem:v3+s2+$0x0], $0xffff;
	_ =	sdelay $0x1  }
0x159: {  	v3 =	vadd.s32 $0x9C00, v1;
	_ =	sdelay $0x3  }
0x15a: {  	[tilespmem:s17+$0x11C00] =	vst v2  }
0x15b: {  	v2 =	vld.idx.msk [tilespmem:v3+s2+$0x0], $0xffff;
	_ =	sdelay $0x1  }
0x15c: {  	v3 =	vadd.s32 $0xA000, v1;
	_ =	sdelay $0x3  }
0x15d: {  	[tilespmem:s17+$0x12000] =	vst v2  }
0x15e: {  	v2 =	vld.idx.msk [tilespmem:v3+s2+$0x0], $0xffff;
	_ =	sdelay $0x1  }
0x15f: {  	v3 =	vadd.s32 $0xA400, v1;
	_ =	sdelay $0x3  }
0x160: {  	[tilespmem:s17+$0x12400] =	vst v2  }
0x161: {  	v2 =	vld.idx.msk [tilespmem:v3+s2+$0x0], $0xffff;
	_ =	sdelay $0x1  }
0x162: {  	v3 =	vadd.s32 $0xA800, v1;
	_ =	sdelay $0x3  }
0x163: {  	[tilespmem:s17+$0x12800] =	vst v2  }
0x164: {  	v2 =	vld.idx.msk [tilespmem:v3+s2+$0x0], $0xffff;
	_ =	sdelay $0x1  }
0x165: {  	v3 =	vadd.s32 $0xAC00, v1;
	_ =	sdelay $0x3  }
0x166: {  	[tilespmem:s17+$0x12C00] =	vst v2  }
0x167: {  	v2 =	vld.idx.msk [tilespmem:v3+s2+$0x0], $0xffff;
	_ =	sdelay $0x1  }
0x168: {  	v3 =	vadd.s32 $0xB000, v1;
	_ =	sdelay $0x3  }
0x169: {  	[tilespmem:s17+$0x13000] =	vst v2  }
0x16a: {  	v2 =	vld.idx.msk [tilespmem:v3+s2+$0x0], $0xffff;
	_ =	sdelay $0x1  }
0x16b: {  	v3 =	vadd.s32 $0xB400, v1;
	_ =	sdelay $0x3  }
0x16c: {  	[tilespmem:s17+$0x13400] =	vst v2  }
0x16d: {  	v2 =	vld.idx.msk [tilespmem:v3+s2+$0x0], $0xffff;
	_ =	sdelay $0x1  }
0x16e: {  	v3 =	vadd.s32 $0xB800, v1;
	_ =	sdelay $0x3  }
0x16f: {  	[tilespmem:s17+$0x13800] =	vst v2  }
0x170: {  	v2 =	vld.idx.msk [tilespmem:v3+s2+$0x0], $0xffff;
	_ =	sdelay $0x1  }
0x171: {  	v3 =	vadd.s32 $0xBC00, v1;
	_ =	sdelay $0x3  }
0x172: {  	[tilespmem:s17+$0x13C00] =	vst v2  }
0x173: {  	v2 =	vld.idx.msk [tilespmem:v3+s2+$0x0], $0xffff;
	_ =	sdelay $0x1  }
0x174: {  	v3 =	vadd.s32 $0xC000, v1;
	_ =	sdelay $0x3  }
0x175: {  	[tilespmem:s17+$0x14000] =	vst v2  }
0x176: {  	v2 =	vld.idx.msk [tilespmem:v3+s2+$0x0], $0xffff;
	_ =	sdelay $0x1  }
0x177: {  	v3 =	vadd.s32 $0xC400, v1;
	_ =	sdelay $0x3  }
0x178: {  	[tilespmem:s17+$0x14400] =	vst v2  }
0x179: {  	v2 =	vld.idx.msk [tilespmem:v3+s2+$0x0], $0xffff;
	_ =	sdelay $0x1  }
0x17a: {  	v3 =	vadd.s32 $0xC800, v1;
	_ =	sdelay $0x3  }
0x17b: {  	[tilespmem:s17+$0x14800] =	vst v2  }
0x17c: {  	v2 =	vld.idx.msk [tilespmem:v3+s2+$0x0], $0xffff;
	_ =	sdelay $0x1  }
0x17d: {  	v3 =	vadd.s32 $0xCC00, v1;
	_ =	sdelay $0x3  }
0x17e: {  	[tilespmem:s17+$0x14C00] =	vst v2  }
0x17f: {  	v2 =	vld.idx.msk [tilespmem:v3+s2+$0x0], $0xffff;
	_ =	sdelay $0x1  }
0x180: {  	v3 =	vadd.s32 $0xD000, v1;
	_ =	sdelay $0x3  }
0x181: {  	[tilespmem:s17+$0x15000] =	vst v2  }
0x182: {  	v2 =	vld.idx.msk [tilespmem:v3+s2+$0x0], $0xffff;
	_ =	sdelay $0x1  }
0x183: {  	v3 =	vadd.s32 $0xD400, v1;
	_ =	sdelay $0x3  }
0x184: {  	[tilespmem:s17+$0x15400] =	vst v2  }
0x185: {  	v2 =	vld.idx.msk [tilespmem:v3+s2+$0x0], $0xffff;
	_ =	sdelay $0x1  }
0x186: {  	v3 =	vadd.s32 $0xD800, v1;
	_ =	sdelay $0x3  }
0x187: {  	[tilespmem:s17+$0x15800] =	vst v2  }
0x188: {  	v2 =	vld.idx.msk [tilespmem:v3+s2+$0x0], $0xffff;
	_ =	sdelay $0x1  }
0x189: {  	v3 =	vadd.s32 $0xDC00, v1;
	_ =	sdelay $0x3  }
0x18a: {  	[tilespmem:s17+$0x15C00] =	vst v2  }
0x18b: {  	v2 =	vld.idx.msk [tilespmem:v3+s2+$0x0], $0xffff;
	_ =	sdelay $0x1  }
0x18c: {  	v3 =	vadd.s32 $0xE000, v1;
	_ =	sdelay $0x3  }
0x18d: {  	[tilespmem:s17+$0x16000] =	vst v2  }
0x18e: {  	v2 =	vld.idx.msk [tilespmem:v3+s2+$0x0], $0xffff;
	_ =	sdelay $0x1  }
0x18f: {  	v3 =	vadd.s32 $0xE400, v1;
	_ =	sdelay $0x3  }
0x190: {  	[tilespmem:s17+$0x16400] =	vst v2  }
0x191: {  	v2 =	vld.idx.msk [tilespmem:v3+s2+$0x0], $0xffff;
	_ =	sdelay $0x1  }
0x192: {  	v3 =	vadd.s32 $0xE800, v1;
	_ =	sdelay $0x3  }
0x193: {  	[tilespmem:s17+$0x16800] =	vst v2  }
0x194: {  	v2 =	vld.idx.msk [tilespmem:v3+s2+$0x0], $0xffff;
	_ =	sdelay $0x1  }
0x195: {  	v3 =	vadd.s32 $0xEC00, v1;
	_ =	sdelay $0x3  }
0x196: {  	[tilespmem:s17+$0x16C00] =	vst v2  }
0x197: {  	v2 =	vld.idx.msk [tilespmem:v3+s2+$0x0], $0xffff;
	_ =	sdelay $0x1  }
0x198: {  	v3 =	vadd.s32 $0xF000, v1;
	_ =	sdelay $0x3  }
0x199: {  	[tilespmem:s17+$0x17000] =	vst v2  }
0x19a: {  	v2 =	vld.idx.msk [tilespmem:v3+s2+$0x0], $0xffff;
	_ =	sdelay $0x1  }
0x19b: {  	v3 =	vadd.s32 $0xF400, v1;
	_ =	sdelay $0x3  }
0x19c: {  	[tilespmem:s17+$0x17400] =	vst v2  }
0x19d: {  	v2 =	vld.idx.msk [tilespmem:v3+s2+$0x0], $0xffff;
	_ =	sdelay $0x1  }
0x19e: {  	v1 =	vadd.s32 $0xF800, v1;
	_ =	sdelay $0x3  }
0x19f: {  	[tilespmem:s17+$0x17800] =	vst v2  }
0x1a0: {  	v1 =	vld.idx.msk [tilespmem:v1+s2+$0x0], $0xffff;
	_ =	sdelay $0x5  }
0x1a1: {  	[tilespmem:s17+$0x17C00] =	vst v1  }
0x1a2: {  	v0 =	vld.idx.msk [tilespmem:v0+s2+$0x0], $0xffff;
	_ =	sdelay $0x1  }
.Ltmp1:
0x1a3: {  	(pc) =	sbr.rel @p0 .LBB2_4-.Ltmp1, $2  }
0x1a4: {  	_ =	sdelay $0x2  }
0x1a5: {  	s15 =	sadd.s32 $0x10, s15;
	s16 =	sadd.s32 $0x10, s16;
	[tilespmem:s17+$0x18000] =	vst v0  }
0x1a6: {  	s13 =	sadd.s32 $0x1, s13  }
0x1a7: {  	p0 =	sne.s32 s13, s7  }
.Ltmp2:
0x1a8: {  	_ = 	snop;
	(pc) =	sbr.rel @p0 .LBB2_1-.Ltmp2, $4  }
0x1a9: {  	[hbm4b:s6+s9] =	stream.strided.scatter [tilespmem:s12], [sflag:$0x1], $0x8000, s11, s9, $0x38;
	[tilespmem:$0x18400] =	vst v63  }
0x1aa: {  	_ =	swait.ge [sflag:s8], $0x8000  }
0x1ab: {  	[sflag:s8] =	ssyncset.done $0x0  }
0x1ac: {  	[sflag:s8] =	ssyncadd.s32 $0xFFFF8000  }
0x1ad: {  	_ =	sfence.sel $0x180000  }
0x1ae: {  	[bflag:$0x0] =	sbarrier.arrive $0xFFFF  }
0x1af: {  	p0 =	sne.s32 s1, $0x0;
	_ =	strace $0x90000047  }
0x1b0: {  	s0 =	sadd.s32 @!p0 $0x100000, s0;
	[bflag:$0x2] =	sbarrier.arrive $0xFFFF  }
0x1b1: {  	[sflag:s0] =	ssyncadd.tile.s32 @!p0 $0x1;
	_ =	shalt  }
.Lfunc_end2:
_tile_overlayer_lowered:
.L_overlay_start_2:
0x1b2: {  	(tag) =	ssettag $0x2  }
0x1b3: {  	s0 =	rddreg [dreg:$0x0];
	s2 =	stileid.u32  }
0x1b4: {  	s1 =	rddreg [dreg:$0x1];
	p0 =	sne.s32 s2, $0x0  }
0x1b5: {  	s3 =	rddreg [dreg:$0x2];
	[bflag:$0x3] =	sbarrier.arrive $0xFFFF;
	s2 =	simm.s32 @!p0 $0x1C01  }
0x1b6: {  	[timem:s3], [sflag:s2] =	dma.local @!p0 [hbm:s0], s1  }
0x1b7: {  	s0 =	simm.s32 @!p0 $0x1  }
0x1b8: {  	_ =	swait.ge @!p0 [sflag:s0], s1  }
0x1b9: {  	s1 =	ssub.s32 @!p0 $0x0, s1;
	[sflag:s0] =	ssyncset.done @!p0 $0x0  }
0x1ba: {  	[sflag:s0] =	ssyncadd.s32 @!p0 s1  }
0x1bb: {  	[bflag:$0x3] =	sbarrier.arrive $0xFFFF  }
0x1bc: {  	_ =	shalt  }

</sc_bundles>
